<compile_context>
chip_gen: v7x
topology: tpu7x:2x2x1
jax: 0.10.2.dev20260603
libtpu: 0.0.44.dev20260713+nightly
codegen_flags: <defaults>
</compile_context>

<pallas_src>
import functools

import jax
import jax.numpy as jnp
from jax import lax
from jax.experimental import pallas as pl
from jax.experimental.pallas import tpu as pltpu
from jax.experimental.pallas import tpu_sc as plsc

SZ = 3072
D = 1024
A = 31337 % SZ
B = 1000003 % SZ


def _matmul_body(tab_ref, w_ref, out_ref):
    out_ref[...] = lax.dot_general(
        tab_ref[...], w_ref[...],
        (((1,), (1,)), ((), ())),
        preferred_element_type=jnp.float32,
    )


def _project_table(tab, proj_w):
    m = tab.shape[0]
    bm = 512
    return pl.pallas_call(
        _matmul_body,
        grid=(m // bm,),
        in_specs=[
            pl.BlockSpec((bm, D), lambda i: (i, 0)),
            pl.BlockSpec((D, D), lambda i: (0, 0)),
        ],
        out_specs=pl.BlockSpec((bm, D), lambda i: (i, 0)),
        out_shape=jax.ShapeDtypeStruct((m, D), jnp.float32),
    )(tab, proj_w)


@functools.cache
def _make_gather(n):
    info = plsc.get_sparse_core_info()
    nc, ns, lanes = info.num_cores, info.num_subcores, info.num_lanes
    nw = nc * ns
    n_per_w = n // nw
    n_chunks = n_per_w // lanes

    mesh = plsc.VectorSubcoreMesh(core_axis_name="c", subcore_axis_name="s")

    nbuf = 4
    crows = lanes
    n_chunks = n_per_w // crows

    @functools.partial(
        pl.kernel,
        mesh=mesh,
        out_type=jax.ShapeDtypeStruct((n, D), jnp.float32),
        scratch_types=[
            pltpu.VMEM((n_per_w,), jnp.int32),
            pltpu.VMEM((n_per_w,), jnp.int32),
        ]
        + [pltpu.VMEM((crows, D), jnp.float32) for _ in range(nbuf)]
        + [pltpu.SemaphoreType.DMA for _ in range(2 * nbuf + 1)],
    )
    def gather_kernel(t_hbm, prev_hbm, tabp_hbm, out_hbm, t_v, prev_v, *bufsem):
        rows = bufsem[:nbuf]
        sg = bufsem[nbuf:2 * nbuf]
        so = bufsem[2 * nbuf:3 * nbuf]
        s_in = bufsem[3 * nbuf]
        wid = lax.axis_index("s") * nc + lax.axis_index("c")
        base = wid * n_per_w
        ct = pltpu.async_copy(t_hbm.at[pl.ds(base, n_per_w)], t_v, s_in)
        cp = pltpu.async_copy(prev_hbm.at[pl.ds(base, n_per_w)], prev_v, s_in)
        ct.wait()
        cp.wait()

        def hash_idx(i):
            tv = t_v[pl.ds(i * lanes, lanes)]
            pv = prev_v[pl.ds(i * lanes, lanes)]
            return (tv * A + pv * B) % SZ

        def out_dma(k, c):
            return pltpu.make_async_copy(
                rows[k], out_hbm.at[pl.ds(base + c * crows, crows)], so[k])

        def body(j, _):
            gs = []
            for k in range(nbuf):
                @pl.when(j > 0)
                def _drain(k=k):
                    out_dma(k, 0).wait()

                gs.append(pltpu.async_copy(
                    tabp_hbm.at[hash_idx(j * nbuf + k)], rows[k], sg[k]))
            for k in range(nbuf):
                gs[k].wait()
                out_dma(k, j * nbuf + k).start()
            return 0

        lax.fori_loop(0, n_chunks // nbuf, body, 0)
        for k in range(nbuf):
            out_dma(k, 0).wait()

    return gather_kernel


def kernel(t, tab, proj_w):
    bsz, seq = t.shape
    n = bsz * seq
    tabp = _project_table(tab, proj_w)
    tf = t.reshape(n)
    prevf = jnp.pad(t[:, :-1], ((0, 0), (1, 0))).reshape(n)
    outf = _make_gather(n)(tf, prevf, tabp)
    return outf.reshape(bsz, seq, D)

# --- scband reference (transcript-rebuilt; emitter-appended) ---
"""Pipeline reference for scband-bigram-hash-25228637897406 (READ-ONLY COPY).

The authoritative reference and input builder live on the scoring server;
editing this copy changes nothing except your own understanding.
"""

import jax, jax.numpy as jnp
import numpy as np

SZ = 3072
D = 1024

def setup_inputs(seed: int = 0):
    key = jax.random.key(seed)
    k1, k2, k3 = jax.random.split(key, 3)
    t = jax.random.randint(k1, (4, 8192), 0, 50257, dtype=jnp.int32)
    tab = jax.random.normal(k2, (SZ, D), dtype=jnp.float32) * 0.02
    proj_w = jax.random.normal(k3, (D, D), dtype=jnp.float32) * (1.0 / np.sqrt(D))
    return {"t": t, "tab": tab, "proj_w": proj_w}

def reference(t, tab, proj_w):
    sz = tab.shape[0]
    # prev token, padded with 0 at position 0 (F.pad(t[:, :-1], (1, 0)))
    prev = jnp.pad(t[:, :-1], ((0, 0), (1, 0)))
    # idx = (t * 31337 + prev * 1000003) % sz, computed overflow-safely in int32
    # using modular arithmetic: (a*b) % m == ((a % m) * (b % m)) % m for a >= 0
    idx = ((t % sz) * (31337 % sz) + (prev % sz) * (1000003 % sz)) % sz
    emb = jnp.take(tab, idx, axis=0)  # embedding lookup [B, S, D]
    # CastedLinear with no bias: y = x @ W^T
    return emb @ proj_w.T

if __name__ == "__main__":
    import jax
    _d = setup_inputs()
    print(jax.jit(kernel)(*tuple(_d.values())))

</pallas_src>

<mosaic_0001>
#map = affine_map<(d0, d1) -> (0)>
#map1 = affine_map<(d0, d1) -> (0, 0)>
module attributes {stable_mosaic.version = 14 : i64} {
  func.func @gather_kernel(%arg0: i32, %arg1: i32, %arg2: memref<32768xi32, #tpu.memory_space<hbm>>, %arg3: memref<32768xi32, #tpu.memory_space<hbm>>, %arg4: memref<3072x1024xf32, #tpu.memory_space<hbm>>, %arg5: memref<32768x1024xf32, #tpu.memory_space<hbm>>, %arg6: memref<1024xi32, #tpu.memory_space<vmem>>, %arg7: memref<1024xi32, #tpu.memory_space<vmem>>, %arg8: memref<16x1024xf32, #tpu.memory_space<vmem>>, %arg9: memref<16x1024xf32, #tpu.memory_space<vmem>>, %arg10: memref<16x1024xf32, #tpu.memory_space<vmem>>, %arg11: memref<16x1024xf32, #tpu.memory_space<vmem>>, %arg12: memref<!tpu.dma_semaphore, #tpu.memory_space<semaphore_mem>>, %arg13: memref<!tpu.dma_semaphore, #tpu.memory_space<semaphore_mem>>, %arg14: memref<!tpu.dma_semaphore, #tpu.memory_space<semaphore_mem>>, %arg15: memref<!tpu.dma_semaphore, #tpu.memory_space<semaphore_mem>>, %arg16: memref<!tpu.dma_semaphore, #tpu.memory_space<semaphore_mem>>, %arg17: memref<!tpu.dma_semaphore, #tpu.memory_space<semaphore_mem>>, %arg18: memref<!tpu.dma_semaphore, #tpu.memory_space<semaphore_mem>>, %arg19: memref<!tpu.dma_semaphore, #tpu.memory_space<semaphore_mem>>, %arg20: memref<!tpu.dma_semaphore, #tpu.memory_space<semaphore_mem>>) attributes {dimension_semantics = [#tpu.dimension_semantics<core_parallel>, #tpu.dimension_semantics<subcore_parallel>], iteration_bounds = array<i64: 2, 16>, scalar_prefetch = 0 : i64, scratch_operands = 15 : i64, tpu.core_type = #tpu.core_type<sc_vector_subcore>, window_params = [{transform_indices = #map}, {transform_indices = #map}, {transform_indices = #map1}, {transform_indices = #map1}]} {
    %mul3A = arith.constant 2 : i32
    %mul3A_0 = arith.muli %arg1, %mul3A : i32
    %add3A = arith.addi %mul3A_0, %arg0 : i32
    %mul3A_1 = arith.constant 1024 : i32
    %mul3A_2 = arith.muli %add3A, %mul3A_1 : i32
    %dma_start3A = tpu.memref_slice %arg2[%mul3A_2] : memref<32768xi32, #tpu.memory_space<hbm>> -> memref<1024xi32, #tpu.memory_space<hbm>>
    %dma_start3A_3 = tpu.memref_slice %arg2[%mul3A_2] : memref<32768xi32, #tpu.memory_space<hbm>> -> memref<1024xi32, #tpu.memory_space<hbm>>
    tpu.enqueue_dma source(%dma_start3A_3 : memref<1024xi32, #tpu.memory_space<hbm>>) target(%arg6 : memref<1024xi32, #tpu.memory_space<vmem>>) target_semaphore(%arg20 : memref<!tpu.dma_semaphore, #tpu.memory_space<semaphore_mem>>)
    %dma_start3A_4 = tpu.memref_slice %arg3[%mul3A_2] : memref<32768xi32, #tpu.memory_space<hbm>> -> memref<1024xi32, #tpu.memory_space<hbm>>
    %dma_start3A_5 = tpu.memref_slice %arg3[%mul3A_2] : memref<32768xi32, #tpu.memory_space<hbm>> -> memref<1024xi32, #tpu.memory_space<hbm>>
    tpu.enqueue_dma source(%dma_start3A_5 : memref<1024xi32, #tpu.memory_space<hbm>>) target(%arg7 : memref<1024xi32, #tpu.memory_space<vmem>>) target_semaphore(%arg20 : memref<!tpu.dma_semaphore, #tpu.memory_space<semaphore_mem>>)
    %dma_wait3A = tpu.memref_slice %arg2[%mul3A_2] : memref<32768xi32, #tpu.memory_space<hbm>> -> memref<1024xi32, #tpu.memory_space<hbm>>
    %dma_wait3A_6 = tpu.memref_slice %arg2[%mul3A_2] : memref<32768xi32, #tpu.memory_space<hbm>> -> memref<1024xi32, #tpu.memory_space<hbm>>
    tpu.wait_dma2 semaphore(%arg20 : memref<!tpu.dma_semaphore, #tpu.memory_space<semaphore_mem>>) src(%dma_wait3A_6 : memref<1024xi32, #tpu.memory_space<hbm>>) dst(%arg6 : memref<1024xi32, #tpu.memory_space<vmem>>)
    %dma_wait3A_7 = tpu.memref_slice %arg3[%mul3A_2] : memref<32768xi32, #tpu.memory_space<hbm>> -> memref<1024xi32, #tpu.memory_space<hbm>>
    %dma_wait3A_8 = tpu.memref_slice %arg3[%mul3A_2] : memref<32768xi32, #tpu.memory_space<hbm>> -> memref<1024xi32, #tpu.memory_space<hbm>>
    tpu.wait_dma2 semaphore(%arg20 : memref<!tpu.dma_semaphore, #tpu.memory_space<semaphore_mem>>) src(%dma_wait3A_8 : memref<1024xi32, #tpu.memory_space<hbm>>) dst(%arg7 : memref<1024xi32, #tpu.memory_space<vmem>>)
    %scan3A = arith.constant 0 : i32
    %scan3A_9 = arith.constant 0 : i32
    %scan3A_10 = arith.constant 16 : i32
    %scan3A_11 = arith.addi %scan3A_9, %scan3A_10 : i32
    %scan3A_12 = arith.constant 1 : i32
    %scan3A_13 = scf.for %scan3A_39 = %scan3A_9 to %scan3A_11 step %scan3A_12 iter_args(%scan3A_40 = %scan3A) -> (i32)  : i32 {
      %gt3A = arith.constant 0 : i32
      %gt3A_41 = arith.cmpi sgt, %scan3A_39, %gt3A : i32
      %convert_element_type3A = arith.extui %gt3A_41 : i1 to i32
      %cond3A = arith.constant 0 : i32
      %cond3A_42 = arith.cmpi ne, %convert_element_type3A, %cond3A : i32
      scf.if %cond3A_42 {
        %add3A_291 = arith.constant 0 : i32
        %add3A_292 = arith.addi %mul3A_2, %add3A_291 : i32
        %dma_wait3A_293 = arith.constant 0 : i32
        %dma_wait3A_294 = tpu.memref_slice %arg5[%add3A_292, %dma_wait3A_293] : memref<32768x1024xf32, #tpu.memory_space<hbm>> -> memref<16x1024xf32, #tpu.memory_space<hbm>>
        %dma_wait3A_295 = arith.constant 0 : i32
        %dma_wait3A_296 = tpu.memref_slice %arg5[%add3A_292, %dma_wait3A_295] : memref<32768x1024xf32, #tpu.memory_space<hbm>> -> memref<16x1024xf32, #tpu.memory_space<hbm>>
        tpu.wait_dma2 semaphore(%arg16 : memref<!tpu.dma_semaphore, #tpu.memory_space<semaphore_mem>>) src(%arg8 : memref<16x1024xf32, #tpu.memory_space<vmem>>) dst(%dma_wait3A_296 : memref<16x1024xf32, #tpu.memory_space<hbm>>)
      } else {
      }
      %mul3A_43 = arith.constant 4 : i32
      %mul3A_44 = arith.muli %scan3A_39, %mul3A_43 : i32
      %add3A_45 = arith.constant 0 : i32
      %add3A_46 = arith.addi %mul3A_44, %add3A_45 : i32
      %mul3A_47 = arith.constant 16 : i32
      %mul3A_48 = arith.muli %add3A_46, %mul3A_47 : i32
      %get3A = arith.index_cast %mul3A_48 : i32 to index
      %get3A_49 = tpu.vector_load %arg6[%get3A] {strides = array<i32>} : memref<1024xi32, #tpu.memory_space<vmem>>, vector<16xi32>,
      %get3A_50 = vector.shape_cast %get3A_49 : vector<16xi32> to vector<16xi32>
      %mul3A_51 = arith.constant 16 : i32
      %mul3A_52 = arith.muli %add3A_46, %mul3A_51 : i32
      %get3A_53 = arith.index_cast %mul3A_52 : i32 to index
      %get3A_54 = tpu.vector_load %arg7[%get3A_53] {strides = array<i32>} : memref<1024xi32, #tpu.memory_space<vmem>>, vector<16xi32>,
      %get3A_55 = vector.shape_cast %get3A_54 : vector<16xi32> to vector<16xi32>
      %mul3A_56 = arith.constant 617 : i32
      %mul3A_57 = vector.broadcast %mul3A_56 : i32 to vector<16xi32>
      %mul3A_58 = arith.muli %get3A_50, %mul3A_57 : vector<16xi32>
      %mul3A_59 = arith.constant 1603 : i32
      %mul3A_60 = vector.broadcast %mul3A_59 : i32 to vector<16xi32>
      %mul3A_61 = arith.muli %get3A_55, %mul3A_60 : vector<16xi32>
      %add3A_62 = arith.addi %mul3A_58, %mul3A_61 : vector<16xi32>
      %jit3A = arith.constant 3072 : i32
      %eq3A = arith.constant 0 : i32
      %eq3A_63 = arith.cmpi eq, %jit3A, %eq3A : i32
      %jit3A_64 = arith.constant 1 : i32
      %select_n3A = arith.select %eq3A_63, %jit3A_64, %jit3A : i32
      %rem3A = vector.broadcast %select_n3A : i32 to vector<16xi32>
      %rem3A_65 = arith.remsi %add3A_62, %rem3A : vector<16xi32>
      %ne3A = arith.constant 0 : i32
      %ne3A_66 = vector.broadcast %ne3A : i32 to vector<16xi32>
      %ne3A_67 = arith.cmpi ne, %rem3A_65, %ne3A_66 : vector<16xi32>
      %lt3A = arith.constant 0 : i32
      %lt3A_68 = vector.broadcast %lt3A : i32 to vector<16xi32>
      %lt3A_69 = arith.cmpi slt, %rem3A_65, %lt3A_68 : vector<16xi32>
      %lt3A_70 = arith.constant 0 : i32
      %lt3A_71 = arith.cmpi slt, %select_n3A, %lt3A_70 : i32
      %ne3A_72 = vector.broadcast %lt3A_71 : i1 to vector<16xi1>
      %ne3A_73 = vector.broadcast %ne3A_72 : vector<16xi1> to vector<16xi1>
      %ne3A_74 = arith.xori %lt3A_69, %ne3A_73 : vector<16xi1>
      %and3A = arith.andi %ne3A_74, %ne3A_67 : vector<16xi1>
      %add3A_75 = vector.broadcast %select_n3A : i32 to vector<16xi32>
      %add3A_76 = arith.addi %rem3A_65, %add3A_75 : vector<16xi32>
      %select_n3A_77 = arith.select %and3A, %add3A_76, %rem3A_65 : vector<16xi1>, vector<16xi32>
      %dma_start3A_78 = arith.constant 0 : i32
      %dma_start3A_79 = arith.constant 0 : i32
      %dma_start3A_80 = tpu.memref_slice %arg4[%dma_start3A_78, %dma_start3A_79] : memref<3072x1024xf32, #tpu.memory_space<hbm>> -> memref<3072x1024xf32, #tpu.memory_space<hbm>>
      tpu.enqueue_indirect_dma source(%dma_start3A_80 : memref<3072x1024xf32, #tpu.memory_space<hbm>>) target(%arg8 : memref<16x1024xf32, #tpu.memory_space<vmem>>) offsets(%select_n3A_77 : vector<16xi32>) semaphore(%arg12 : memref<!tpu.dma_semaphore, #tpu.memory_space<semaphore_mem>>)
      %gt3A_81 = arith.constant 0 : i32
      %gt3A_82 = arith.cmpi sgt, %scan3A_39, %gt3A_81 : i32
      %convert_element_type3A_83 = arith.extui %gt3A_82 : i1 to i32
      %cond3A_84 = arith.constant 0 : i32
      %cond3A_85 = arith.cmpi ne, %convert_element_type3A_83, %cond3A_84 : i32
      scf.if %cond3A_85 {
        %add3A_291 = arith.constant 0 : i32
        %add3A_292 = arith.addi %mul3A_2, %add3A_291 : i32
        %dma_wait3A_293 = arith.constant 0 : i32
        %dma_wait3A_294 = tpu.memref_slice %arg5[%add3A_292, %dma_wait3A_293] : memref<32768x1024xf32, #tpu.memory_space<hbm>> -> memref<16x1024xf32, #tpu.memory_space<hbm>>
        %dma_wait3A_295 = arith.constant 0 : i32
        %dma_wait3A_296 = tpu.memref_slice %arg5[%add3A_292, %dma_wait3A_295] : memref<32768x1024xf32, #tpu.memory_space<hbm>> -> memref<16x1024xf32, #tpu.memory_space<hbm>>
        tpu.wait_dma2 semaphore(%arg17 : memref<!tpu.dma_semaphore, #tpu.memory_space<semaphore_mem>>) src(%arg9 : memref<16x1024xf32, #tpu.memory_space<vmem>>) dst(%dma_wait3A_296 : memref<16x1024xf32, #tpu.memory_space<hbm>>)
      } else {
      }
      %mul3A_86 = arith.constant 4 : i32
      %mul3A_87 = arith.muli %scan3A_39, %mul3A_86 : i32
      %add3A_88 = arith.constant 1 : i32
      %add3A_89 = arith.addi %mul3A_87, %add3A_88 : i32
      %mul3A_90 = arith.constant 16 : i32
      %mul3A_91 = arith.muli %add3A_89, %mul3A_90 : i32
      %get3A_92 = arith.index_cast %mul3A_91 : i32 to index
      %get3A_93 = tpu.vector_load %arg6[%get3A_92] {strides = array<i32>} : memref<1024xi32, #tpu.memory_space<vmem>>, vector<16xi32>,
      %get3A_94 = vector.shape_cast %get3A_93 : vector<16xi32> to vector<16xi32>
      %mul3A_95 = arith.constant 16 : i32
      %mul3A_96 = arith.muli %add3A_89, %mul3A_95 : i32
      %get3A_97 = arith.index_cast %mul3A_96 : i32 to index
      %get3A_98 = tpu.vector_load %arg7[%get3A_97] {strides = array<i32>} : memref<1024xi32, #tpu.memory_space<vmem>>, vector<16xi32>,
      %get3A_99 = vector.shape_cast %get3A_98 : vector<16xi32> to vector<16xi32>
      %mul3A_100 = arith.constant 617 : i32
      %mul3A_101 = vector.broadcast %mul3A_100 : i32 to vector<16xi32>
      %mul3A_102 = arith.muli %get3A_94, %mul3A_101 : vector<16xi32>
      %mul3A_103 = arith.constant 1603 : i32
      %mul3A_104 = vector.broadcast %mul3A_103 : i32 to vector<16xi32>
      %mul3A_105 = arith.muli %get3A_99, %mul3A_104 : vector<16xi32>
      %add3A_106 = arith.addi %mul3A_102, %mul3A_105 : vector<16xi32>
      %jit3A_107 = arith.constant 3072 : i32
      %eq3A_108 = arith.constant 0 : i32
      %eq3A_109 = arith.cmpi eq, %jit3A_107, %eq3A_108 : i32
      %jit3A_110 = arith.constant 1 : i32
      %select_n3A_111 = arith.select %eq3A_109, %jit3A_110, %jit3A_107 : i32
      %rem3A_112 = vector.broadcast %select_n3A_111 : i32 to vector<16xi32>
      %rem3A_113 = arith.remsi %add3A_106, %rem3A_112 : vector<16xi32>
      %ne3A_114 = arith.constant 0 : i32
      %ne3A_115 = vector.broadcast %ne3A_114 : i32 to vector<16xi32>
      %ne3A_116 = arith.cmpi ne, %rem3A_113, %ne3A_115 : vector<16xi32>
      %lt3A_117 = arith.constant 0 : i32
      %lt3A_118 = vector.broadcast %lt3A_117 : i32 to vector<16xi32>
      %lt3A_119 = arith.cmpi slt, %rem3A_113, %lt3A_118 : vector<16xi32>
      %lt3A_120 = arith.constant 0 : i32
      %lt3A_121 = arith.cmpi slt, %select_n3A_111, %lt3A_120 : i32
      %ne3A_122 = vector.broadcast %lt3A_121 : i1 to vector<16xi1>
      %ne3A_123 = vector.broadcast %ne3A_122 : vector<16xi1> to vector<16xi1>
      %ne3A_124 = arith.xori %lt3A_119, %ne3A_123 : vector<16xi1>
      %and3A_125 = arith.andi %ne3A_124, %ne3A_116 : vector<16xi1>
      %add3A_126 = vector.broadcast %select_n3A_111 : i32 to vector<16xi32>
      %add3A_127 = arith.addi %rem3A_113, %add3A_126 : vector<16xi32>
      %select_n3A_128 = arith.select %and3A_125, %add3A_127, %rem3A_113 : vector<16xi1>, vector<16xi32>
      %dma_start3A_129 = arith.constant 0 : i32
      %dma_start3A_130 = arith.constant 0 : i32
      %dma_start3A_131 = tpu.memref_slice %arg4[%dma_start3A_129, %dma_start3A_130] : memref<3072x1024xf32, #tpu.memory_space<hbm>> -> memref<3072x1024xf32, #tpu.memory_space<hbm>>
      tpu.enqueue_indirect_dma source(%dma_start3A_131 : memref<3072x1024xf32, #tpu.memory_space<hbm>>) target(%arg9 : memref<16x1024xf32, #tpu.memory_space<vmem>>) offsets(%select_n3A_128 : vector<16xi32>) semaphore(%arg13 : memref<!tpu.dma_semaphore, #tpu.memory_space<semaphore_mem>>)
      %gt3A_132 = arith.constant 0 : i32
      %gt3A_133 = arith.cmpi sgt, %scan3A_39, %gt3A_132 : i32
      %convert_element_type3A_134 = arith.extui %gt3A_133 : i1 to i32
      %cond3A_135 = arith.constant 0 : i32
      %cond3A_136 = arith.cmpi ne, %convert_element_type3A_134, %cond3A_135 : i32
      scf.if %cond3A_136 {
        %add3A_291 = arith.constant 0 : i32
        %add3A_292 = arith.addi %mul3A_2, %add3A_291 : i32
        %dma_wait3A_293 = arith.constant 0 : i32
        %dma_wait3A_294 = tpu.memref_slice %arg5[%add3A_292, %dma_wait3A_293] : memref<32768x1024xf32, #tpu.memory_space<hbm>> -> memref<16x1024xf32, #tpu.memory_space<hbm>>
        %dma_wait3A_295 = arith.constant 0 : i32
        %dma_wait3A_296 = tpu.memref_slice %arg5[%add3A_292, %dma_wait3A_295] : memref<32768x1024xf32, #tpu.memory_space<hbm>> -> memref<16x1024xf32, #tpu.memory_space<hbm>>
        tpu.wait_dma2 semaphore(%arg18 : memref<!tpu.dma_semaphore, #tpu.memory_space<semaphore_mem>>) src(%arg10 : memref<16x1024xf32, #tpu.memory_space<vmem>>) dst(%dma_wait3A_296 : memref<16x1024xf32, #tpu.memory_space<hbm>>)
      } else {
      }
      %mul3A_137 = arith.constant 4 : i32
      %mul3A_138 = arith.muli %scan3A_39, %mul3A_137 : i32
      %add3A_139 = arith.constant 2 : i32
      %add3A_140 = arith.addi %mul3A_138, %add3A_139 : i32
      %mul3A_141 = arith.constant 16 : i32
      %mul3A_142 = arith.muli %add3A_140, %mul3A_141 : i32
      %get3A_143 = arith.index_cast %mul3A_142 : i32 to index
      %get3A_144 = tpu.vector_load %arg6[%get3A_143] {strides = array<i32>} : memref<1024xi32, #tpu.memory_space<vmem>>, vector<16xi32>,
      %get3A_145 = vector.shape_cast %get3A_144 : vector<16xi32> to vector<16xi32>
      %mul3A_146 = arith.constant 16 : i32
      %mul3A_147 = arith.muli %add3A_140, %mul3A_146 : i32
      %get3A_148 = arith.index_cast %mul3A_147 : i32 to index
      %get3A_149 = tpu.vector_load %arg7[%get3A_148] {strides = array<i32>} : memref<1024xi32, #tpu.memory_space<vmem>>, vector<16xi32>,
      %get3A_150 = vector.shape_cast %get3A_149 : vector<16xi32> to vector<16xi32>
      %mul3A_151 = arith.constant 617 : i32
      %mul3A_152 = vector.broadcast %mul3A_151 : i32 to vector<16xi32>
      %mul3A_153 = arith.muli %get3A_145, %mul3A_152 : vector<16xi32>
      %mul3A_154 = arith.constant 1603 : i32
      %mul3A_155 = vector.broadcast %mul3A_154 : i32 to vector<16xi32>
      %mul3A_156 = arith.muli %get3A_150, %mul3A_155 : vector<16xi32>
      %add3A_157 = arith.addi %mul3A_153, %mul3A_156 : vector<16xi32>
      %jit3A_158 = arith.constant 3072 : i32
      %eq3A_159 = arith.constant 0 : i32
      %eq3A_160 = arith.cmpi eq, %jit3A_158, %eq3A_159 : i32
      %jit3A_161 = arith.constant 1 : i32
      %select_n3A_162 = arith.select %eq3A_160, %jit3A_161, %jit3A_158 : i32
      %rem3A_163 = vector.broadcast %select_n3A_162 : i32 to vector<16xi32>
      %rem3A_164 = arith.remsi %add3A_157, %rem3A_163 : vector<16xi32>
      %ne3A_165 = arith.constant 0 : i32
      %ne3A_166 = vector.broadcast %ne3A_165 : i32 to vector<16xi32>
      %ne3A_167 = arith.cmpi ne, %rem3A_164, %ne3A_166 : vector<16xi32>
      %lt3A_168 = arith.constant 0 : i32
      %lt3A_169 = vector.broadcast %lt3A_168 : i32 to vector<16xi32>
      %lt3A_170 = arith.cmpi slt, %rem3A_164, %lt3A_169 : vector<16xi32>
      %lt3A_171 = arith.constant 0 : i32
      %lt3A_172 = arith.cmpi slt, %select_n3A_162, %lt3A_171 : i32
      %ne3A_173 = vector.broadcast %lt3A_172 : i1 to vector<16xi1>
      %ne3A_174 = vector.broadcast %ne3A_173 : vector<16xi1> to vector<16xi1>
      %ne3A_175 = arith.xori %lt3A_170, %ne3A_174 : vector<16xi1>
      %and3A_176 = arith.andi %ne3A_175, %ne3A_167 : vector<16xi1>
      %add3A_177 = vector.broadcast %select_n3A_162 : i32 to vector<16xi32>
      %add3A_178 = arith.addi %rem3A_164, %add3A_177 : vector<16xi32>
      %select_n3A_179 = arith.select %and3A_176, %add3A_178, %rem3A_164 : vector<16xi1>, vector<16xi32>
      %dma_start3A_180 = arith.constant 0 : i32
      %dma_start3A_181 = arith.constant 0 : i32
      %dma_start3A_182 = tpu.memref_slice %arg4[%dma_start3A_180, %dma_start3A_181] : memref<3072x1024xf32, #tpu.memory_space<hbm>> -> memref<3072x1024xf32, #tpu.memory_space<hbm>>
      tpu.enqueue_indirect_dma source(%dma_start3A_182 : memref<3072x1024xf32, #tpu.memory_space<hbm>>) target(%arg10 : memref<16x1024xf32, #tpu.memory_space<vmem>>) offsets(%select_n3A_179 : vector<16xi32>) semaphore(%arg14 : memref<!tpu.dma_semaphore, #tpu.memory_space<semaphore_mem>>)
      %gt3A_183 = arith.constant 0 : i32
      %gt3A_184 = arith.cmpi sgt, %scan3A_39, %gt3A_183 : i32
      %convert_element_type3A_185 = arith.extui %gt3A_184 : i1 to i32
      %cond3A_186 = arith.constant 0 : i32
      %cond3A_187 = arith.cmpi ne, %convert_element_type3A_185, %cond3A_186 : i32
      scf.if %cond3A_187 {
        %add3A_291 = arith.constant 0 : i32
        %add3A_292 = arith.addi %mul3A_2, %add3A_291 : i32
        %dma_wait3A_293 = arith.constant 0 : i32
        %dma_wait3A_294 = tpu.memref_slice %arg5[%add3A_292, %dma_wait3A_293] : memref<32768x1024xf32, #tpu.memory_space<hbm>> -> memref<16x1024xf32, #tpu.memory_space<hbm>>
        %dma_wait3A_295 = arith.constant 0 : i32
        %dma_wait3A_296 = tpu.memref_slice %arg5[%add3A_292, %dma_wait3A_295] : memref<32768x1024xf32, #tpu.memory_space<hbm>> -> memref<16x1024xf32, #tpu.memory_space<hbm>>
        tpu.wait_dma2 semaphore(%arg19 : memref<!tpu.dma_semaphore, #tpu.memory_space<semaphore_mem>>) src(%arg11 : memref<16x1024xf32, #tpu.memory_space<vmem>>) dst(%dma_wait3A_296 : memref<16x1024xf32, #tpu.memory_space<hbm>>)
      } else {
      }
      %mul3A_188 = arith.constant 4 : i32
      %mul3A_189 = arith.muli %scan3A_39, %mul3A_188 : i32
      %add3A_190 = arith.constant 3 : i32
      %add3A_191 = arith.addi %mul3A_189, %add3A_190 : i32
      %mul3A_192 = arith.constant 16 : i32
      %mul3A_193 = arith.muli %add3A_191, %mul3A_192 : i32
      %get3A_194 = arith.index_cast %mul3A_193 : i32 to index
      %get3A_195 = tpu.vector_load %arg6[%get3A_194] {strides = array<i32>} : memref<1024xi32, #tpu.memory_space<vmem>>, vector<16xi32>,
      %get3A_196 = vector.shape_cast %get3A_195 : vector<16xi32> to vector<16xi32>
      %mul3A_197 = arith.constant 16 : i32
      %mul3A_198 = arith.muli %add3A_191, %mul3A_197 : i32
      %get3A_199 = arith.index_cast %mul3A_198 : i32 to index
      %get3A_200 = tpu.vector_load %arg7[%get3A_199] {strides = array<i32>} : memref<1024xi32, #tpu.memory_space<vmem>>, vector<16xi32>,
      %get3A_201 = vector.shape_cast %get3A_200 : vector<16xi32> to vector<16xi32>
      %mul3A_202 = arith.constant 617 : i32
      %mul3A_203 = vector.broadcast %mul3A_202 : i32 to vector<16xi32>
      %mul3A_204 = arith.muli %get3A_196, %mul3A_203 : vector<16xi32>
      %mul3A_205 = arith.constant 1603 : i32
      %mul3A_206 = vector.broadcast %mul3A_205 : i32 to vector<16xi32>
      %mul3A_207 = arith.muli %get3A_201, %mul3A_206 : vector<16xi32>
      %add3A_208 = arith.addi %mul3A_204, %mul3A_207 : vector<16xi32>
      %jit3A_209 = arith.constant 3072 : i32
      %eq3A_210 = arith.constant 0 : i32
      %eq3A_211 = arith.cmpi eq, %jit3A_209, %eq3A_210 : i32
      %jit3A_212 = arith.constant 1 : i32
      %select_n3A_213 = arith.select %eq3A_211, %jit3A_212, %jit3A_209 : i32
      %rem3A_214 = vector.broadcast %select_n3A_213 : i32 to vector<16xi32>
      %rem3A_215 = arith.remsi %add3A_208, %rem3A_214 : vector<16xi32>
      %ne3A_216 = arith.constant 0 : i32
      %ne3A_217 = vector.broadcast %ne3A_216 : i32 to vector<16xi32>
      %ne3A_218 = arith.cmpi ne, %rem3A_215, %ne3A_217 : vector<16xi32>
      %lt3A_219 = arith.constant 0 : i32
      %lt3A_220 = vector.broadcast %lt3A_219 : i32 to vector<16xi32>
      %lt3A_221 = arith.cmpi slt, %rem3A_215, %lt3A_220 : vector<16xi32>
      %lt3A_222 = arith.constant 0 : i32
      %lt3A_223 = arith.cmpi slt, %select_n3A_213, %lt3A_222 : i32
      %ne3A_224 = vector.broadcast %lt3A_223 : i1 to vector<16xi1>
      %ne3A_225 = vector.broadcast %ne3A_224 : vector<16xi1> to vector<16xi1>
      %ne3A_226 = arith.xori %lt3A_221, %ne3A_225 : vector<16xi1>
      %and3A_227 = arith.andi %ne3A_226, %ne3A_218 : vector<16xi1>
      %add3A_228 = vector.broadcast %select_n3A_213 : i32 to vector<16xi32>
      %add3A_229 = arith.addi %rem3A_215, %add3A_228 : vector<16xi32>
      %select_n3A_230 = arith.select %and3A_227, %add3A_229, %rem3A_215 : vector<16xi1>, vector<16xi32>
      %dma_start3A_231 = arith.constant 0 : i32
      %dma_start3A_232 = arith.constant 0 : i32
      %dma_start3A_233 = tpu.memref_slice %arg4[%dma_start3A_231, %dma_start3A_232] : memref<3072x1024xf32, #tpu.memory_space<hbm>> -> memref<3072x1024xf32, #tpu.memory_space<hbm>>
      tpu.enqueue_indirect_dma source(%dma_start3A_233 : memref<3072x1024xf32, #tpu.memory_space<hbm>>) target(%arg11 : memref<16x1024xf32, #tpu.memory_space<vmem>>) offsets(%select_n3A_230 : vector<16xi32>) semaphore(%arg15 : memref<!tpu.dma_semaphore, #tpu.memory_space<semaphore_mem>>)
      %dma_wait3A_234 = arith.constant 0 : i32
      %dma_wait3A_235 = arith.constant 0 : i32
      %dma_wait3A_236 = tpu.memref_slice %arg4[%dma_wait3A_234, %dma_wait3A_235] : memref<3072x1024xf32, #tpu.memory_space<hbm>> -> memref<3072x1024xf32, #tpu.memory_space<hbm>>
      tpu.wait_indirect_dma semaphore(%arg12 : memref<!tpu.dma_semaphore, #tpu.memory_space<semaphore_mem>>) src(%dma_wait3A_236 : memref<3072x1024xf32, #tpu.memory_space<hbm>>) dst(%arg8 : memref<16x1024xf32, #tpu.memory_space<vmem>>)
      %mul3A_237 = arith.constant 4 : i32
      %mul3A_238 = arith.muli %scan3A_39, %mul3A_237 : i32
      %add3A_239 = arith.constant 0 : i32
      %add3A_240 = arith.addi %mul3A_238, %add3A_239 : i32
      %mul3A_241 = arith.constant 16 : i32
      %mul3A_242 = arith.muli %add3A_240, %mul3A_241 : i32
      %add3A_243 = arith.addi %mul3A_2, %mul3A_242 : i32
      %dma_start3A_244 = arith.constant 0 : i32
      %dma_start3A_245 = tpu.memref_slice %arg5[%add3A_243, %dma_start3A_244] : memref<32768x1024xf32, #tpu.memory_space<hbm>> -> memref<16x1024xf32, #tpu.memory_space<hbm>>
      %dma_start3A_246 = arith.constant 0 : i32
      %dma_start3A_247 = tpu.memref_slice %arg5[%add3A_243, %dma_start3A_246] : memref<32768x1024xf32, #tpu.memory_space<hbm>> -> memref<16x1024xf32, #tpu.memory_space<hbm>>
      tpu.enqueue_dma source(%arg8 : memref<16x1024xf32, #tpu.memory_space<vmem>>) target(%dma_start3A_247 : memref<16x1024xf32, #tpu.memory_space<hbm>>) target_semaphore(%arg16 : memref<!tpu.dma_semaphore, #tpu.memory_space<semaphore_mem>>)
      %dma_wait3A_248 = arith.constant 0 : i32
      %dma_wait3A_249 = arith.constant 0 : i32
      %dma_wait3A_250 = tpu.memref_slice %arg4[%dma_wait3A_248, %dma_wait3A_249] : memref<3072x1024xf32, #tpu.memory_space<hbm>> -> memref<3072x1024xf32, #tpu.memory_space<hbm>>
      tpu.wait_indirect_dma semaphore(%arg13 : memref<!tpu.dma_semaphore, #tpu.memory_space<semaphore_mem>>) src(%dma_wait3A_250 : memref<3072x1024xf32, #tpu.memory_space<hbm>>) dst(%arg9 : memref<16x1024xf32, #tpu.memory_space<vmem>>)
      %mul3A_251 = arith.constant 4 : i32
      %mul3A_252 = arith.muli %scan3A_39, %mul3A_251 : i32
      %add3A_253 = arith.constant 1 : i32
      %add3A_254 = arith.addi %mul3A_252, %add3A_253 : i32
      %mul3A_255 = arith.constant 16 : i32
      %mul3A_256 = arith.muli %add3A_254, %mul3A_255 : i32
      %add3A_257 = arith.addi %mul3A_2, %mul3A_256 : i32
      %dma_start3A_258 = arith.constant 0 : i32
      %dma_start3A_259 = tpu.memref_slice %arg5[%add3A_257, %dma_start3A_258] : memref<32768x1024xf32, #tpu.memory_space<hbm>> -> memref<16x1024xf32, #tpu.memory_space<hbm>>
      %dma_start3A_260 = arith.constant 0 : i32
      %dma_start3A_261 = tpu.memref_slice %arg5[%add3A_257, %dma_start3A_260] : memref<32768x1024xf32, #tpu.memory_space<hbm>> -> memref<16x1024xf32, #tpu.memory_space<hbm>>
      tpu.enqueue_dma source(%arg9 : memref<16x1024xf32, #tpu.memory_space<vmem>>) target(%dma_start3A_261 : memref<16x1024xf32, #tpu.memory_space<hbm>>) target_semaphore(%arg17 : memref<!tpu.dma_semaphore, #tpu.memory_space<semaphore_mem>>)
      %dma_wait3A_262 = arith.constant 0 : i32
      %dma_wait3A_263 = arith.constant 0 : i32
      %dma_wait3A_264 = tpu.memref_slice %arg4[%dma_wait3A_262, %dma_wait3A_263] : memref<3072x1024xf32, #tpu.memory_space<hbm>> -> memref<3072x1024xf32, #tpu.memory_space<hbm>>
      tpu.wait_indirect_dma semaphore(%arg14 : memref<!tpu.dma_semaphore, #tpu.memory_space<semaphore_mem>>) src(%dma_wait3A_264 : memref<3072x1024xf32, #tpu.memory_space<hbm>>) dst(%arg10 : memref<16x1024xf32, #tpu.memory_space<vmem>>)
      %mul3A_265 = arith.constant 4 : i32
      %mul3A_266 = arith.muli %scan3A_39, %mul3A_265 : i32
      %add3A_267 = arith.constant 2 : i32
      %add3A_268 = arith.addi %mul3A_266, %add3A_267 : i32
      %mul3A_269 = arith.constant 16 : i32
      %mul3A_270 = arith.muli %add3A_268, %mul3A_269 : i32
      %add3A_271 = arith.addi %mul3A_2, %mul3A_270 : i32
      %dma_start3A_272 = arith.constant 0 : i32
      %dma_start3A_273 = tpu.memref_slice %arg5[%add3A_271, %dma_start3A_272] : memref<32768x1024xf32, #tpu.memory_space<hbm>> -> memref<16x1024xf32, #tpu.memory_space<hbm>>
      %dma_start3A_274 = arith.constant 0 : i32
      %dma_start3A_275 = tpu.memref_slice %arg5[%add3A_271, %dma_start3A_274] : memref<32768x1024xf32, #tpu.memory_space<hbm>> -> memref<16x1024xf32, #tpu.memory_space<hbm>>
      tpu.enqueue_dma source(%arg10 : memref<16x1024xf32, #tpu.memory_space<vmem>>) target(%dma_start3A_275 : memref<16x1024xf32, #tpu.memory_space<hbm>>) target_semaphore(%arg18 : memref<!tpu.dma_semaphore, #tpu.memory_space<semaphore_mem>>)
      %dma_wait3A_276 = arith.constant 0 : i32
      %dma_wait3A_277 = arith.constant 0 : i32
      %dma_wait3A_278 = tpu.memref_slice %arg4[%dma_wait3A_276, %dma_wait3A_277] : memref<3072x1024xf32, #tpu.memory_space<hbm>> -> memref<3072x1024xf32, #tpu.memory_space<hbm>>
      tpu.wait_indirect_dma semaphore(%arg15 : memref<!tpu.dma_semaphore, #tpu.memory_space<semaphore_mem>>) src(%dma_wait3A_278 : memref<3072x1024xf32, #tpu.memory_space<hbm>>) dst(%arg11 : memref<16x1024xf32, #tpu.memory_space<vmem>>)
      %mul3A_279 = arith.constant 4 : i32
      %mul3A_280 = arith.muli %scan3A_39, %mul3A_279 : i32
      %add3A_281 = arith.constant 3 : i32
      %add3A_282 = arith.addi %mul3A_280, %add3A_281 : i32
      %mul3A_283 = arith.constant 16 : i32
      %mul3A_284 = arith.muli %add3A_282, %mul3A_283 : i32
      %add3A_285 = arith.addi %mul3A_2, %mul3A_284 : i32
      %dma_start3A_286 = arith.constant 0 : i32
      %dma_start3A_287 = tpu.memref_slice %arg5[%add3A_285, %dma_start3A_286] : memref<32768x1024xf32, #tpu.memory_space<hbm>> -> memref<16x1024xf32, #tpu.memory_space<hbm>>
      %dma_start3A_288 = arith.constant 0 : i32
      %dma_start3A_289 = tpu.memref_slice %arg5[%add3A_285, %dma_start3A_288] : memref<32768x1024xf32, #tpu.memory_space<hbm>> -> memref<16x1024xf32, #tpu.memory_space<hbm>>
      tpu.enqueue_dma source(%arg11 : memref<16x1024xf32, #tpu.memory_space<vmem>>) target(%dma_start3A_289 : memref<16x1024xf32, #tpu.memory_space<hbm>>) target_semaphore(%arg19 : memref<!tpu.dma_semaphore, #tpu.memory_space<semaphore_mem>>)
      %scan3A_290 = arith.constant 0 : i32
      scf.yield %scan3A_290 : i32
    }
    %scan3A_14 = arith.constant 16 : i32
    %add3A_15 = arith.constant 0 : i32
    %add3A_16 = arith.addi %mul3A_2, %add3A_15 : i32
    %dma_wait3A_17 = arith.constant 0 : i32
    %dma_wait3A_18 = tpu.memref_slice %arg5[%add3A_16, %dma_wait3A_17] : memref<32768x1024xf32, #tpu.memory_space<hbm>> -> memref<16x1024xf32, #tpu.memory_space<hbm>>
    %dma_wait3A_19 = arith.constant 0 : i32
    %dma_wait3A_20 = tpu.memref_slice %arg5[%add3A_16, %dma_wait3A_19] : memref<32768x1024xf32, #tpu.memory_space<hbm>> -> memref<16x1024xf32, #tpu.memory_space<hbm>>
    tpu.wait_dma2 semaphore(%arg16 : memref<!tpu.dma_semaphore, #tpu.memory_space<semaphore_mem>>) src(%arg8 : memref<16x1024xf32, #tpu.memory_space<vmem>>) dst(%dma_wait3A_20 : memref<16x1024xf32, #tpu.memory_space<hbm>>)
    %add3A_21 = arith.constant 0 : i32
    %add3A_22 = arith.addi %mul3A_2, %add3A_21 : i32
    %dma_wait3A_23 = arith.constant 0 : i32
    %dma_wait3A_24 = tpu.memref_slice %arg5[%add3A_22, %dma_wait3A_23] : memref<32768x1024xf32, #tpu.memory_space<hbm>> -> memref<16x1024xf32, #tpu.memory_space<hbm>>
    %dma_wait3A_25 = arith.constant 0 : i32
    %dma_wait3A_26 = tpu.memref_slice %arg5[%add3A_22, %dma_wait3A_25] : memref<32768x1024xf32, #tpu.memory_space<hbm>> -> memref<16x1024xf32, #tpu.memory_space<hbm>>
    tpu.wait_dma2 semaphore(%arg17 : memref<!tpu.dma_semaphore, #tpu.memory_space<semaphore_mem>>) src(%arg9 : memref<16x1024xf32, #tpu.memory_space<vmem>>) dst(%dma_wait3A_26 : memref<16x1024xf32, #tpu.memory_space<hbm>>)
    %add3A_27 = arith.constant 0 : i32
    %add3A_28 = arith.addi %mul3A_2, %add3A_27 : i32
    %dma_wait3A_29 = arith.constant 0 : i32
    %dma_wait3A_30 = tpu.memref_slice %arg5[%add3A_28, %dma_wait3A_29] : memref<32768x1024xf32, #tpu.memory_space<hbm>> -> memref<16x1024xf32, #tpu.memory_space<hbm>>
    %dma_wait3A_31 = arith.constant 0 : i32
    %dma_wait3A_32 = tpu.memref_slice %arg5[%add3A_28, %dma_wait3A_31] : memref<32768x1024xf32, #tpu.memory_space<hbm>> -> memref<16x1024xf32, #tpu.memory_space<hbm>>
    tpu.wait_dma2 semaphore(%arg18 : memref<!tpu.dma_semaphore, #tpu.memory_space<semaphore_mem>>) src(%arg10 : memref<16x1024xf32, #tpu.memory_space<vmem>>) dst(%dma_wait3A_32 : memref<16x1024xf32, #tpu.memory_space<hbm>>)
    %add3A_33 = arith.constant 0 : i32
    %add3A_34 = arith.addi %mul3A_2, %add3A_33 : i32
    %dma_wait3A_35 = arith.constant 0 : i32
    %dma_wait3A_36 = tpu.memref_slice %arg5[%add3A_34, %dma_wait3A_35] : memref<32768x1024xf32, #tpu.memory_space<hbm>> -> memref<16x1024xf32, #tpu.memory_space<hbm>>
    %dma_wait3A_37 = arith.constant 0 : i32
    %dma_wait3A_38 = tpu.memref_slice %arg5[%add3A_34, %dma_wait3A_37] : memref<32768x1024xf32, #tpu.memory_space<hbm>> -> memref<16x1024xf32, #tpu.memory_space<hbm>>
    tpu.wait_dma2 semaphore(%arg19 : memref<!tpu.dma_semaphore, #tpu.memory_space<semaphore_mem>>) src(%arg11 : memref<16x1024xf32, #tpu.memory_space<vmem>>) dst(%dma_wait3A_38 : memref<16x1024xf32, #tpu.memory_space<hbm>>)
    return
  }
}

module attributes {stable_mosaic.version = 14 : i64} {
  func.func @_matmul_body(%arg0: i32, %arg1: memref<512x1024xf32, #tpu.memory_space<vmem>>, %arg2: memref<1024x1024xf32, #tpu.memory_space<vmem>>, %arg3: memref<512x1024xf32, #tpu.memory_space<vmem>>) attributes {dimension_semantics = [#tpu.dimension_semantics<arbitrary>], iteration_bounds = array<i64: 6>, scalar_prefetch = 0 : i64, scratch_operands = 0 : i64, tpu.core_type = #tpu.core_type<tc>, window_params = [{transform_indices = @transform_0, window_bounds = array<i64: 512, 1024>}, {pipeline_mode = #tpu.pipeline_mode<synchronous>, transform_indices = @transform_1, window_bounds = array<i64: 1024, 1024>}, {transform_indices = @transform_2, window_bounds = array<i64: 512, 1024>}]} {
    %get3A = arith.constant 0 : index
    %get3A_0 = arith.constant 0 : index
    %get3A_1 = vector.load %arg1[%get3A, %get3A_0] : memref<512x1024xf32, #tpu.memory_space<vmem>>, vector<512x1024xf32>
    %get3A_2 = arith.constant 0 : index
    %get3A_3 = arith.constant 0 : index
    %get3A_4 = vector.load %arg2[%get3A_2, %get3A_3] : memref<1024x1024xf32, #tpu.memory_space<vmem>>, vector<1024x1024xf32>
    %dot_general3A = arith.constant dense<0.000000e+00> : vector<512x1024xf32>
    %dot_general3A_5 = tpu.matmul %get3A_1, %get3A_4, %dot_general3A {dimension_numbers = #tpu.dot_dimension_numbers<[1], [1], [0], [0], [0, 0, 1, 0], [], []>, transpose_lhs_hint = false} : vector<512x1024xf32>, vector<1024x1024xf32>, vector<512x1024xf32> -> vector<512x1024xf32>
    %swap3A = arith.constant 0 : index
    %swap3A_6 = arith.constant 0 : index
    %swap3A_7 = vector.load %arg3[%swap3A, %swap3A_6] : memref<512x1024xf32, #tpu.memory_space<vmem>>, vector<512x1024xf32>
    tpu.vector_store %arg3[%swap3A, %swap3A_6], %dot_general3A_5 {strides = array<i32>} : memref<512x1024xf32, #tpu.memory_space<vmem>>, vector<512x1024xf32>,
    return
  }
  func.func @transform_0(%arg0: i32) -> (i32, i32) {
    %c0_i32 = arith.constant 0 : i32
    %c0_i32_0 = arith.constant 0 : i32
    return %arg0, %c0_i32 : i32, i32
  }
  func.func @transform_1(%arg0: i32) -> (i32, i32) {
    %c0_i32 = arith.constant 0 : i32
    %c0_i32_0 = arith.constant 0 : i32
    %c0_i32_1 = arith.constant 0 : i32
    return %c0_i32, %c0_i32_0 : i32, i32
  }
  func.func @transform_2(%arg0: i32) -> (i32, i32) {
    %c0_i32 = arith.constant 0 : i32
    %c0_i32_0 = arith.constant 0 : i32
    return %arg0, %c0_i32 : i32, i32
  }
}

</mosaic_0001>

<sc_bundles>
// kernel: kernel.4.cloned.1.call-start
scs
__scs_entry_jumppad:
0x0: {  	(pc) =	sbr.rel $0x88, $3  }
0x1: {  	(tag) =	ssettag $0x0;
	lr =	simm.s32 $0x1  }
0x2: {  	[smem:$0x3F9E] =	sst lr;
	_ =	strace $0xD0000000  }
0x3: {  	_ = 	snop  }
0x4: {  	_ = 	snop  }
0x5: {  	_ = 	snop  }
0x6: {  	_ = 	snop  }
0x7: {  	_ = 	snop  }
__scs_overlays_trampoline_lowered:
0x8: {  	[smem:$0x3FAD] =	sst s0  }
0x9: {  	[smem:$0x3FAE] =	sst s1  }
0xa: {  	[smem:$0x3FAF] =	sst s2  }
0xb: {  	[smem:$0x3FB0] =	sst s3  }
0xc: {  	[smem:$0x3FB1] =	sst s4  }
0xd: {  	[smem:$0x3FB2] =	sst s5  }
0xe: {  	[smem:$0x3FB3] =	sst s6  }
0xf: {  	[smem:$0x3FB4] =	sst s7  }
0x10: {  	[smem:$0x3FB5] =	sst s8  }
0x11: {  	[smem:$0x3FB6] =	sst s9;
	s0 =	simm.s32 @!p0 $0x0  }
0x12: {  	s1 =	sld [smem:$0x3F9C];
	s0 =	simm.s32 @p0 $0x1  }
0x13: {  	[smem:$0x3FB7] =	sst s0;
	s0 =	simm.s32 @!p1 $0x0  }
0x14: {  	s2 =	sld [smem:$0x3F9B];
	s0 =	simm.s32 @p1 $0x1  }
0x15: {  	[smem:$0x3FB8] =	sst s0;
	s0 =	simm.s32 @!p2 $0x0  }
0x16: {  	s3 =	sld [smem:$0x3FDB];
	s0 =	simm.s32 @p2 $0x1  }
0x17: {  	s4 =	simm.s32 $0x1BF5;
	[smem:$0x3FBA] =	sst s0  }
0x18: {  	s0 =	sld [smem:$0x3F9D];
	_ =	swait.ge [sflag:s4], $0x0  }
0x19: {  	s7 =	sld [smem:$0x3F9E]  }
0x1a: {  	s8 =	sadd.s32 $0xFFFFE003, lr  }
0x1b: {  	s9 =	sadd.s32 $0xFFFFFEF7, lr;
	s5 =	simm.s32 $0xFFFFFFFF;
	p2 =	slt.u32 s8, $0xFFFFF086  }
0x1c: {  	p1 =	slt.u32 s9, $0xF7A;
	s5 =	simm.s32 @!p2 $0x0  }
0x1d: {  	s5 =	simm.s32 @p1 $0x1;
	p0 =	seq.s32 s7, s2  }
0x1e: {  	s7 =	smul.u32 @!p0 $0xF7A, s2;
	p2 =	seq.s32 @!p0 s5, $0x0  }
0x1f: {  	s9 =	smul.u32 $0xF7A, s1;
	s8 =	simm.s32 @!p0 $0x1BF5;
	p2 =	por !p2, p0  }
0x20: {  	[sflag:s8] =	ssyncset.s32 @!p0 $0xFFFFF086;
	s6 =	sadd.s32 @!p0 s3, s7;
	s7 =	simm.s32 @!p0 $0x108  }
0x21: {  	s3 =	sadd.s32 s3, s9;
	s6 =	sadd.s32 @!p0 $0x88, s6;
	s7 =	simm.s32 @p2 $0x1082  }
0x22: {  	[simem:s7], [sflag:s8] =	dma.local @!p0 [hbm:s6], $0xF7A  }
0x23: {  	s9 =	sor.u32 $0xD0000000, s2;
	s6 =	simm.s32 $0x108;
	_ =	swait.ge @!p0 [sflag:s8], $0x0  }
0x24: {  	s3 =	sadd.s32 $0x88, s3;
	s6 =	simm.s32 @!p1 $0x1082;
	[sflag:s4] =	ssyncset.s32 $0xFFFFF086  }
0x25: {  	[simem:s6], [sflag:s4] =	dma.local [hbm:s3], $0xF7A  }
0x26: {  	[smem:$0x3F9E] =	sst s1;
	(tag) =	ssettag s2;
	_ =	strace s9  }
0x27: {  	s1 =	sld [smem:$0x3FAE]  }
0x28: {  	s2 =	sld [smem:$0x3FAF]  }
0x29: {  	s4 =	sld [smem:$0x3FB1]  }
0x2a: {  	p0 =	seq.s32 s5, $0x0;
	s5 =	sld [smem:$0x3FB2]  }
0x2b: {  	s6 =	sld [smem:$0x3FB3]  }
0x2c: {  	s7 =	sld [smem:$0x3FB4]  }
0x2d: {  	s3 =	simm.s32 $0x108;
	s8 =	sld [smem:$0x3FB5]  }
0x2e: {  	s3 =	simm.s32 @!p0 $0x1082;
	s9 =	sld [smem:$0x3FB6]  }
0x2f: {  	lr =	sadd.s32 s0, s3;
	s0 =	sld [smem:$0x3FAD]  }
0x30: {  	s3 =	sld [smem:$0x3FB0]  }
0x31: {  	[smem:$0x3FB9] =	sst s10  }
0x32: {  	s10 =	sld [smem:$0x3FB7];
	_ =	sdelay $0x3  }
0x33: {  	p0 =	seq.s32 s10, $0x1;
	s10 =	sld [smem:$0x3FB9];
	_ =	sdelay $0x3  }
0x34: {  	[smem:$0x3FB9] =	sst s10  }
0x35: {  	s10 =	sld [smem:$0x3FB8];
	_ =	sdelay $0x3  }
0x36: {  	p1 =	seq.s32 s10, $0x1;
	s10 =	sld [smem:$0x3FB9];
	_ =	sdelay $0x3  }
0x37: {  	[smem:$0x3FB9] =	sst s10  }
0x38: {  	s10 =	sld [smem:$0x3FBA]  }
0x39: {  	_ = 	snop;
	(pc) =	sbr.ind lr, $3  }
0x3a: {  	_ = 	snop  }
0x3b: {  	_ = 	snop  }
0x3c: {  	p2 =	seq.s32 s10, $0x1;
	s10 =	sld [smem:$0x3FB9]  }
0x3d: {  	_ =	shalt  }
0x3e: {  	_ =	shalt  }
0x3f: {  	_ =	shalt  }
0x40: {  	_ =	shalt  }
0x41: {  	_ =	shalt  }
0x42: {  	_ =	shalt  }
0x43: {  	_ =	shalt  }
0x44: {  	_ =	shalt  }
0x45: {  	_ =	shalt  }
0x46: {  	_ =	shalt  }
0x47: {  	_ =	shalt  }
0x48: {  	_ =	shalt  }
0x49: {  	_ =	shalt  }
0x4a: {  	_ =	shalt  }
0x4b: {  	_ =	shalt  }
0x4c: {  	_ =	shalt  }
0x4d: {  	_ =	shalt  }
0x4e: {  	_ =	shalt  }
0x4f: {  	_ =	shalt  }
0x50: {  	_ =	shalt  }
0x51: {  	_ =	shalt  }
0x52: {  	_ =	shalt  }
0x53: {  	_ =	shalt  }
0x54: {  	_ =	shalt  }
0x55: {  	_ =	shalt  }
0x56: {  	_ =	shalt  }
0x57: {  	_ =	shalt  }
0x58: {  	_ =	shalt  }
0x59: {  	_ =	shalt  }
0x5a: {  	_ =	shalt  }
0x5b: {  	_ =	shalt  }
0x5c: {  	_ =	shalt  }
0x5d: {  	_ =	shalt  }
0x5e: {  	_ =	shalt  }
0x5f: {  	_ =	shalt  }
0x60: {  	_ =	shalt  }
0x61: {  	_ =	shalt  }
0x62: {  	_ =	shalt  }
0x63: {  	_ =	shalt  }
0x64: {  	_ =	shalt  }
0x65: {  	_ =	shalt  }
0x66: {  	_ =	shalt  }
0x67: {  	_ =	shalt  }
0x68: {  	_ =	shalt  }
0x69: {  	_ =	shalt  }
0x6a: {  	_ =	shalt  }
0x6b: {  	_ =	shalt  }
0x6c: {  	_ =	shalt  }
0x6d: {  	_ =	shalt  }
0x6e: {  	_ =	shalt  }
0x6f: {  	_ =	shalt  }
0x70: {  	_ =	shalt  }
0x71: {  	_ =	shalt  }
0x72: {  	_ =	shalt  }
0x73: {  	_ =	shalt  }
0x74: {  	_ =	shalt  }
0x75: {  	_ =	shalt  }
0x76: {  	_ =	shalt  }
0x77: {  	_ =	shalt  }
0x78: {  	_ =	shalt  }
0x79: {  	_ =	shalt  }
0x7a: {  	_ =	shalt  }
0x7b: {  	_ =	shalt  }
0x7c: {  	_ =	shalt  }
0x7d: {  	_ =	shalt  }
0x7e: {  	_ =	shalt  }
0x7f: {  	_ =	shalt  }
0x80: {  	_ =	shalt  }
0x81: {  	_ =	shalt  }
0x82: {  	_ =	shalt  }
0x83: {  	_ =	shalt  }
0x84: {  	_ =	shalt  }
0x85: {  	_ =	shalt  }
0x86: {  	_ =	shalt  }
0x87: {  	_ =	shalt  }
.Lfunc_end0:
.L_simem_size_0:
called_computation_lowered:
.L_overlay_start_0:
0x88: {  	s2 =	sld [smem:$0x3FD9]  }
0x89: {  	s3 =	sld [smem:$0x3FFE];
	_ =	sdelay $0x1  }
0x8a: {  	s1 =	srdreg.scid  }
0x8b: {  	s0 =	sand.u32 $0x1, s1  }
0x8c: {  	s17 =	sshll.u32 s0, $0xA;
	s2 =	sadd.s32 s3, s2  }
0x8d: {  	s2 =	sadd.s32 s2, s17  }
0x8e: {  	[smem:$0x3FC5] =	sst s2  }
0x8f: {  	_ = 	snop  }
0x90: {  	s2 =	sld [smem:$0x3FD0];
	(tm) =	ssettm $0x1  }
0x91: {  	s18 =	sld [smem:$0x3FFB];
	_ =	sdelay $0x3  }
0x92: {  	_ =	strace s18  }
0x93: {  	s3 =	sld [smem:$0x3FFC];
	_ =	sdelay $0x3  }
0x94: {  	_ =	strace s3  }
0x95: {  	s3 =	sld [smem:$0x3FFD];
	_ =	sdelay $0x3  }
0x96: {  	_ =	strace s3  }
0x97: {  	_ =	strace $0x8FFFFFFF  }
0x98: {  	s19 =	sld [smem:$0x3FDB];
	_ =	sdelay $0x1  }
0x99: {  	s4 =	simm.s32 $_scs_section_size  }
0x9a: {  	s5 =	simm.s32 $_size__tile_overlayer_lowered;
	s6 =	simm.s32 $_tile_overlayer_lowered  }
0x9b: {  	s22 =	simm.s32 $0x1BFF;
	s21 =	sshll.u32 s6, $0x1;
	s3 =	sadd.s32 s4, s19  }
0x9c: {  	s7 =	simm.s32 $0x0;
	s20 =	sshll.u32 s5, $0x1;
	s5 =	sadd.s32 s21, s3  }
0x9d: {  	[timem:s7], [sflag:s22] =	dma.local [hbm:s5], s20  }
0x9e: {  	_ =	swait.ge [sflag:s22], s20  }
0x9f: {  	s4 =	ssub.s32 $0x0, s20;
	[sflag:s22] =	ssyncset.done $0x0  }
0xa0: {  	[sflag:s22] =	ssyncadd.s32 s4;
	_ =	sdelay $0x1  }
0xa1: {  	s23 =	simm.s32 $0x1B8B  }
0xa2: {  	_ =	swait.ge [sflag:s23], $0x1  }
0xa3: {  	[sflag:s23] =	ssyncset.done $0x0  }
0xa4: {  	s25 =	simm.s32 $0x1B8E;
	s24 =	sld [smem:$0x3FFE];
	[sflag:s23] =	ssyncadd.s32 $0xFFFFFFFF  }
0xa5: {  	s26 =	simm.s32 $execute0_lowered;
	[smem:$0x3FD2] =	sst s25  }
0xa6: {  	s5 =	sshll.u32 s26, $0x1;
	_ =	strace $0x80000046;
	[dreg:$0x1] =	wrdreg $0xFFFFFFFF  }
0xa7: {  	s28 =	simm.s32 $_size_execute0_lowered;
	s3 =	sadd.s32 s3, s5;
	[dreg:$0x0] =	wrdreg $0x0  }
0xa8: {  	s5 =	sshll.u32 s28, $0x1;
	[dreg:$0x2] =	wrdreg s3  }
0xa9: {  	[dreg:$0x3] =	wrdreg s5  }
0xaa: {  	[dreg:$0x4] =	wrdreg $0xC0  }
0xab: {  	_ =	task [dreg:s7], $0x5FFFF  }
0xac: {  	[dreg:$0x1] =	wrdreg $0xFFFFFFFF  }
0xad: {  	[dreg:$0x0] =	wrdreg $0x60  }
0xae: {  	[dreg:$0x2] =	wrdreg s24  }
0xaf: {  	[dreg:$0x3] =	wrdreg s2  }
0xb0: {  	[dreg:$0x4] =	wrdreg $0x9  }
0xb1: {  	_ =	task.clear_ibuf [dreg:s7], $0x5FFFF;
	_ =	strace $0x90000046  }
0xb2: {  	s29 =	simm.s32 $0x9;
	_ =	strace $0x80000048  }
0xb3: {  	_ =	swait.ge [sflag:s29], $0x1  }
0xb4: {  	[sflag:s29] =	ssyncadd.s32 $0xFFFFFFFF  }
0xb5: {  	_ =	strace $0x90000048  }
0xb6: {  	_ =	sfence  }
0xb7: {  	s30 =	sld [smem:$0x0];
	_ =	sdelay $0x2  }
0xb8: {  	s31 =	sshll.u32 s1, $0xD;
	s1 =	sshrl.u32 s1, $0x2  }
0xb9: {  	s3 =	sand.u32 $0x4000, s31;
	s1 =	sadd.s32 s1, s30  }
0xba: {  	s0 =	sor.u32 s3, s0;
	s1 =	sshll.u32 s1, $0x11  }
0xbb: {  	s0 =	sor.u32 s1, s0  }
0xbc: {  	s0 =	sadd.s32 $0x8F2B, s0  }
0xbd: {  	[sflag:s0] =	ssyncadd.remote.s32 $0x1  }
0xbe: {  	_ =	sfence.sel $0xFFFF  }
0xbf: {  	[dreg:$0x0] =	wrdreg $0xFFFFFFFF;
	(pc) =	sbr.abs _section_cstart, $3  }
0xc0: {  	[dreg:$0x1] =	wrdreg $0xFFFFFFFF  }
0xc1: {  	_ =	task.clear_ibuf [dreg:s7], $0x2FFFF;
	_ =	strace $0x9FFFFFFF  }
0xc2: {  	(tm) =	ssettm $0x7FFFFFFF  }
0xc3: {  	_ =	shalt  }
tec
execute0_lowered:
.L_overlay_start_1:
0x0: {  	(tag) =	ssettag $0x1  }
0x1: {  	s0 =	rddreg [dreg:$0x0]  }
0x2: {  	s1 =	rddreg [dreg:$0x1];
	s2 =	simm.s32 $0x0  }
0x3: {  	s18 =	simm.s32 $0x1000;
	[smem:$0x7FF] =	sst s2  }
0x4: {  	s19 =	simm.s32 $0x1800;
	_ =	strace $0x80000047;
	[dreg:$0x4] =	wrdreg s18  }
0x5: {  	s20 =	simm.s32 $0x2000;
	[dreg:$0x5] =	wrdreg s19  }
0x6: {  	s21 =	simm.s32 $0x2800;
	[dreg:$0x6] =	wrdreg s20  }
0x7: {  	s22 =	simm.s32 $0x3000;
	[dreg:$0x7] =	wrdreg s21  }
0x8: {  	s23 =	simm.s32 $0x3800;
	[dreg:$0x8] =	wrdreg s22  }
0x9: {  	s24 =	simm.s32 $0x4000;
	[dreg:$0x9] =	wrdreg s23  }
0xa: {  	s25 =	simm.s32 $0x5000;
	[dreg:$0xa] =	wrdreg s24  }
0xb: {  	s26 =	simm.s32 $0x5800;
	[dreg:$0xb] =	wrdreg s25  }
0xc: {  	s30 =	simm.s32 $0x6000;
	[dreg:$0xc] =	wrdreg s26  }
0xd: {  	s6 =	simm.s32 $0x6800;
	[dreg:$0xd] =	wrdreg s30  }
0xe: {  	s7 =	simm.s32 $0x7000;
	[dreg:$0xe] =	wrdreg s6  }
0xf: {  	s8 =	simm.s32 $0x7800;
	[dreg:$0xf] =	wrdreg s7  }
0x10: {  	s10 =	simm.s32 $0x8000;
	[dreg:$0x10] =	wrdreg s8  }
0x11: {  	s11 =	simm.s32 $0x9000;
	[dreg:$0x11] =	wrdreg s10  }
0x12: {  	s12 =	simm.s32 $0x9800;
	[dreg:$0x12] =	wrdreg s11  }
0x13: {  	s13 =	simm.s32 $0xA000;
	[dreg:$0x13] =	wrdreg s12  }
0x14: {  	s3 =	srdreg.scid;
	s14 =	simm.s32 $0xA800;
	[dreg:$0x14] =	wrdreg s13  }
0x15: {  	s5 =	stileid.u32;
	s15 =	simm.s32 $0xB000;
	[dreg:$0x15] =	wrdreg s14  }
0x16: {  	s4 =	sand.u32 $0x1, s3;
	[dreg:$0x16] =	wrdreg s15;
	s18 =	simm.s32 $0xC000  }
0x17: {  	s16 =	sshll.u32 s5, $0x12;
	s19 =	simm.s32 $0xD000;
	[dreg:$0x18] =	wrdreg s18  }
0x18: {  	s29 =	sshll.u32 s5, $0xB;
	s21 =	simm.s32 $0xD800;
	[dreg:$0x19] =	wrdreg s19  }
0x19: {  	s1 =	sadd.s32 s16, s1;
	s23 =	simm.s32 $0xE000;
	[dreg:$0x1a] =	wrdreg s21  }
0x1a: {  	s17 =	sshll.u32 s4, $0x11;
	s24 =	simm.s32 $0xE800;
	[dreg:$0x1b] =	wrdreg s23  }
0x1b: {  	s31 =	sshll.u32 s4, $0xA;
	s30 =	simm.s32 $0xF800;
	[dreg:$0x1c] =	wrdreg s24  }
0x1c: {  	s4 =	ssub.s32 $0x2, s4;
	s20 =	sadd.s32 $0x2B00, s0;
	[dreg:$0x1e] =	wrdreg s30  }
0x1d: {  	s1 =	sadd.s32 s17, s1;
	s3 =	sor.u32 s31, s29;
	[smem:$0x7FD] =	sst s20  }
0x1e: {  	v0 =	vimm.s32 $0xECA86420;
	s6 =	sshrl.u32 s4, $0x1;
	s17 =	simm.s32 $0xB800;
	[dreg:$0x3] =	wrdreg s1  }
0x1f: {  	vm0 =	vcmask $0xB08;
	vm1 =	vcmask $0x1310;
	vm2 =	vcmask $0x1B18;
	s29 =	simm.s32 $0xF000;
	s31 =	simm.s32 $0x10000;
	[dreg:$0x17] =	wrdreg s17  }
0x20: {  	vm3 =	vcmask $0x300;
	vm4 =	vcmask $0x2320;
	vm5 =	vcmask $0x2B28;
	s3 =	sshrl.u32 s3, $0x3;
	s4 =	ssub.s32 s4, s6;
	[dreg:$0x1d] =	wrdreg s29  }
0x21: {  	v4 =	vlaneseq.u32;
	vm6 =	vcmask $0x3330;
	vm7 =	vcmask $0x3B38;
	[dreg:$0x1f] =	wrdreg s31;
	s9 =	sadd.s32 s3, s0;
	s22 =	smax.u32 s4, $0x1  }
0x22: {  	vm8 =	vmmov $0xff;
	vm9 =	vmmov $0xffff;
	s28 =	sadd.s32 $0x2800, s0;
	v0 =	vunpack.c.l.s4.s8 v0;
	s3 =	sadd.s32 $0x800, s9;
	[smem:$0x7FC] =	sst s22  }
0x23: {  	v1 =	vmul.u32 $0x2, v4;
	v2 =	vand.u32 $0x7, v4;
	v3 =	vshrl.u32 v4, $0x3;
	s25 =	sadd.s32 $0x2900, s0;
	s16 =	sadd.s32 $0x1800, s9;
	[smem:$0x7FA] =	sst s3  }
0x24: {  	v4 =	vor.u32 $0x8, v4;
	s26 =	sadd.s32 $0x2A00, s0;
	v3 =	vmul.u32 $0x8, v3;
	v0 =	vunpack.c.0.s8.s32 v0;
	s4 =	simm.s32 $0x0;
	[smem:$0x7FB] =	sst s16  }
.LBB2_1:
0x25: {  	s0 =	sld [smem:$0x7FA];
	_ =	sdelay $0x1  }
0x26: {  	s30 =	sld [smem:$0x7FB]  }
0x27: {  	[tilespmem:s2], [sflag:$0x9] =	stream.linear.gather [hbm4b:s0+s2], $0x400, $0x38;
	[tilespmem:$0x10800] =	vst v63  }
0x28: {  	[smem:$0x7F9] =	sst s4;
	s1 =	simm.s32 $0x400;
	s31 =	simm.s32 $0x9  }
0x29: {  	[tilespmem:s1], [sflag:$0x9] =	stream.linear.gather [hbm4b:s30+s2], $0x400, $0x38;
	[tilespmem:$0x10800] =	vst v63  }
0x2a: {  	_ =	swait.ge [sflag:s31], $0x400  }
0x2b: {  	[sflag:s31] =	ssyncset.done $0x0  }
0x2c: {  	[sflag:s31] =	ssyncadd.s32 $0xFFFFFC00  }
0x2d: {  	_ =	swait.ge [sflag:s31], $0x400  }
0x2e: {  	s4 =	simm.s32 $0x20;
	[sflag:s31] =	ssyncset.done $0x0  }
0x2f: {  	s0 =	simm.s32 $0x0;
	s1 =	simm.s32 $0x420;
	[sflag:s31] =	ssyncadd.s32 $0xFFFFFC00  }
.LBB2_2:
0x30: {  	[smem:$0x7F8] =	sst s0  }
0x31: {  	[smem:$0x7F6] =	sst s4;
	p0 =	seq.s32 s0, $0x0  }
0x32: {  	[smem:$0x7F7] =	sst s1;
	s0 =	simm.s32 @!p0 $0x5  }
0x33: {  	_ =	swait.ge @!p0 [sflag:s0], $0x4000  }
0x34: {  	[sflag:s0] =	ssyncset.done @!p0 $0x0  }
0x35: {  	[sflag:s0] =	ssyncadd.s32 @!p0 $0xFFFFC000  }
0x36: {  	v5 =	vld [tilespmem:s4+$0xFFFFFFE0]  }
0x37: {  	v6 =	vld [tilespmem:s1+$0xFFFFFFE0];
	_ =	sdelay $0x4  }
0x38: {  	v5 =	vmul.u32 $0x269, v5;
	v6 =	vmul.u32 $0x643, v6;
	_ =	sdelay $0x1  }
0x39: {  	v5 =	vadd.s32 v5, v6  }
0x3a: {  	(v2sf) =	vpush v5, $0xD;
	_ =	sdelay $0x1  }
0x3b: {  	(v2sf) =	vpush v5, $0xC;
	_ =	sdelay $0x1  }
0x3c: {  	(v2sf) =	vpush v5, $0xE;
	_ =	sdelay $0x1  }
0x3d: {  	(v2sf) =	vpush v5, $0xF;
	_ =	sdelay $0x1  }
0x3e: {  	(v2sf) =	vpush v5, $0x9;
	_ =	sdelay $0x1  }
0x3f: {  	(v2sf) =	vpush v5, $0x8;
	_ =	sdelay $0x1  }
0x40: {  	(v2sf) =	vpush v5, $0xA;
	_ =	sdelay $0x1  }
0x41: {  	(v2sf) =	vpush v5, $0xB  }
0x42: {  	s7 =	spop (v2sf)  }
0x43: {  	s8 =	smulhi.u32 $0x2AAAAAAB, s7;
	s0 =	sshra.s32 s7, $0x1F  }
0x44: {  	(v2sf) =	vpush v5, $0x0;
	s10 =	spop (v2sf);
	s0 =	smul.u32 $0x2AAAAAAB, s0  }
0x45: {  	s5 =	smulhi.u32 $0x2AAAAAAB, s10;
	s4 =	sshra.s32 s10, $0x1F  }
0x46: {  	(v2sf) =	vpush v5, $0x1;
	s9 =	spop (v2sf);
	s4 =	smul.u32 $0x2AAAAAAB, s4  }
0x47: {  	s10 =	smulhi.u32 $0x2AAAAAAB, s9;
	s9 =	sshra.s32 s9, $0x1F  }
0x48: {  	(v2sf) =	vpush v5, $0x2;
	s11 =	spop (v2sf);
	s20 =	smul.u32 $0x2AAAAAAB, s9  }
0x49: {  	s29 =	sadd.s32 s0, s8;
	s12 =	smulhi.u32 $0x2AAAAAAB, s11;
	s13 =	sshra.s32 s11, $0x1F  }
0x4a: {  	(v2sf) =	vpush v5, $0x3;
	s30 =	spop (v2sf);
	s9 =	sshrl.u32 s29, $0x1F;
	s21 =	smul.u32 $0x2AAAAAAB, s13  }
0x4b: {  	s0 =	sadd.s32 s4, s5;
	s14 =	smulhi.u32 $0x2AAAAAAB, s30;
	s15 =	sshra.s32 s30, $0x1F  }
0x4c: {  	(v2sf) =	vpush v5, $0x4;
	s31 =	spop (v2sf);
	s29 =	sshrl.u32 s29, $0x9;
	s5 =	smul.u32 $0x2AAAAAAB, s15  }
0x4d: {  	s22 =	sshrl.u32 s0, $0x1F;
	s30 =	sadd.s32 s20, s10;
	s16 =	smulhi.u32 $0x2AAAAAAB, s31  }
0x4e: {  	(v2sf) =	vpush v5, $0x5;
	s31 =	sshra.s32 s31, $0x1F;
	s11 =	spop (v2sf);
	s0 =	sshrl.u32 s0, $0x9  }
0x4f: {  	s20 =	sshrl.u32 s30, $0x1F;
	s23 =	smul.u32 $0x2AAAAAAB, s31;
	s31 =	sadd.s32 s21, s12  }
0x50: {  	(v2sf) =	vpush v5, $0x6;
	s24 =	smulhi.u32 $0x2AAAAAAB, s11;
	s17 =	sshra.s32 s11, $0x1F;
	s12 =	spop (v2sf)  }
0x51: {  	s21 =	sshrl.u32 s31, $0x1F;
	s11 =	smul.u32 $0x2AAAAAAB, s17;
	s1 =	sadd.s32 s5, s14  }
0x52: {  	(v2sf) =	vpush v5, $0x7;
	s18 =	smulhi.u32 $0x2AAAAAAB, s12;
	s19 =	sshra.s32 s12, $0x1F;
	s12 =	sshrl.u32 s1, $0x1F  }
0x53: {  	s13 =	smul.u32 $0x2AAAAAAB, s19;
	s5 =	sadd.s32 s23, s16;
	s14 =	spop (v2sf)  }
0x54: {  	s1 =	sshrl.u32 s1, $0x9;
	s3 =	smulhi.u32 $0x2AAAAAAB, s14;
	s6 =	sshra.s32 s14, $0x1F  }
0x55: {  	s10 =	sadd.s32 s11, s24;
	s16 =	spop (v2sf);
	s15 =	smul.u32 $0x2AAAAAAB, s6  }
0x56: {  	v7 =	vmov s22;
	s24 =	sshrl.u32 s10, $0x1F;
	s7 =	smulhi.u32 $0x2AAAAAAB, s16;
	s16 =	sshra.s32 s16, $0x1F  }
0x57: {  	v7 =	vsel vm0, s9, v7;
	s4 =	sadd.s32 s13, s18;
	s17 =	spop (v2sf);
	s16 =	smul.u32 $0x2AAAAAAB, s16  }
0x58: {  	v7 =	vsel vm1, s20, v7;
	s20 =	sshrl.u32 s4, $0x1F;
	s8 =	smulhi.u32 $0x2AAAAAAB, s17;
	s17 =	sshra.s32 s17, $0x1F  }
0x59: {  	s14 =	sshrl.u32 s5, $0x1F;
	s6 =	spop (v2sf);
	s17 =	smul.u32 $0x2AAAAAAB, s17  }
0x5a: {  	s5 =	sshrl.u32 s5, $0x9;
	s19 =	smulhi.u32 $0x2AAAAAAB, s6;
	s23 =	sshra.s32 s6, $0x1F  }
0x5b: {  	s11 =	sadd.s32 s16, s7;
	s16 =	smul.u32 $0x2AAAAAAB, s23;
	s7 =	spop (v2sf)  }
0x5c: {  	s15 =	sadd.s32 s15, s3;
	s6 =	smulhi.u32 $0x2AAAAAAB, s7;
	s23 =	sshra.s32 s7, $0x1F  }
0x5d: {  	s13 =	sadd.s32 s17, s8;
	s8 =	spop (v2sf);
	s17 =	smul.u32 $0x2AAAAAAB, s23  }
0x5e: {  	s18 =	sshrl.u32 s15, $0x1F;
	s7 =	smulhi.u32 $0x2AAAAAAB, s8;
	s23 =	sshra.s32 s8, $0x1F  }
0x5f: {  	s3 =	sshrl.u32 s11, $0x1F;
	v6 =	vmov s18;
	s18 =	smul.u32 $0x2AAAAAAB, s23;
	s23 =	spop (v2sf)  }
0x60: {  	s8 =	sshrl.u32 s13, $0x1F;
	s16 =	sadd.s32 s16, s19;
	v6 =	vnsel vm3, $0x0, v6;
	s19 =	sshra.s32 s23, $0x1F  }
0x61: {  	v48 =	vmov s0;
	v8 =	vmov s14;
	v6 =	vsel vm0, s3, v6;
	s3 =	sadd.s32 s17, s6;
	s6 =	smul.u32 $0x2AAAAAAB, s19;
	s19 =	spop (v2sf)  }
0x62: {  	v7 =	vsel vm2, s21, v7;
	v10 =	vmov s5;
	v8 =	vsel vm0, s12, v8;
	s17 =	smulhi.u32 $0x2AAAAAAB, s19;
	s9 =	sshra.s32 s19, $0x1F;
	s19 =	sshrl.u32 s15, $0x9  }
0x63: {  	v10 =	vsel vm0, s1, v10;
	s11 =	sshrl.u32 s11, $0x9;
	s22 =	smulhi.u32 $0x2AAAAAAB, s23;
	s23 =	sshrl.u32 s16, $0x1F;
	v6 =	vsel vm1, s8, v6;
	v9 =	vmov s19  }
0x64: {  	v8 =	vsel vm1, s24, v8;
	s24 =	sshrl.u32 s13, $0x9;
	s14 =	sshrl.u32 s3, $0x1F;
	v6 =	vsel vm2, s23, v6;
	s7 =	sadd.s32 s18, s7;
	v9 =	vnsel vm3, $0x0, v9  }
0x65: {  	v8 =	vsel vm2, s20, v8;
	s13 =	sshrl.u32 s30, $0x9;
	s12 =	sshrl.u32 s16, $0x9;
	v6 =	vsel vm4, s14, v6;
	s21 =	sshrl.u32 s7, $0x1F;
	v47 =	vsel vm0, s11, v9  }
0x66: {  	v7 =	vcombine.low v8, v7;
	s14 =	sshrl.u32 s10, $0x9;
	s9 =	smul.u32 $0x2AAAAAAB, s9;
	s6 =	sadd.s32 s6, s22;
	v6 =	vsel vm5, s21, v6;
	v8 =	vsel vm1, s24, v47  }
0x67: {  	s16 =	sshrl.u32 s31, $0x9;
	s15 =	sshrl.u32 s3, $0x9;
	v10 =	vsel vm1, s14, v10;
	s23 =	sshrl.u32 s6, $0x1F;
	v9 =	vsel vm0, s29, v48;
	v8 =	vsel vm2, s12, v8  }
0x68: {  	s18 =	sshrl.u32 s7, $0x9;
	s9 =	sadd.s32 s9, s17;
	v6 =	vsel vm6, s23, v6;
	s17 =	sshrl.u32 s4, $0x9;
	v9 =	vsel vm1, s13, v9;
	v8 =	vsel vm4, s15, v8  }
0x69: {  	s20 =	sshrl.u32 s6, $0x9;
	s19 =	sshrl.u32 s9, $0x1F;
	v10 =	vsel vm2, s17, v10;
	v9 =	vsel vm2, s16, v9;
	v8 =	vsel vm5, s18, v8  }
0x6a: {  	s21 =	sshrl.u32 s9, $0x9;
	v6 =	vsel vm7, s19, v6;
	v9 =	vcombine.low v10, v9;
	v8 =	vsel vm6, s20, v8  }
0x6b: {  	v7 =	vperm.xlane v7, v0;
	v6 =	vperm.xlane v6, v1;
	v8 =	vsel vm7, s21, v8  }
0x6c: {  	v9 =	vperm.xlane v9, v0;
	v8 =	vperm.xlane v8, v1;
	_ =	sdelay $0x1  }
0x6d: {  	v6 =	vsel vm8, v6, v7;
	v7 =	vsel vm8, v8, v9  }
0x6e: {  	v6 =	vadd.s32 v6, v7  }
0x6f: {  	v6 =	vmul.u32 $0xC00, v6;
	_ =	sdelay $0x1  }
0x70: {  	v5 =	vsub.s32 v5, v6  }
0x71: {  	vm10 =	vlt.s32 v5, $0x0;
	v6 =	vadd.s32 $0xC00, v5  }
0x72: {  	v5 =	vsel vm10, v6, v5  }
0x73: {  	v6 =	vshll.u32 v5, $0x3  }
0x74: {  	v5 =	vand.u32 $0x7, v5;
	v6 =	vand.u32 $0xFFFFFFC0, v6  }
0x75: {  	v5 =	vor.u32 v5, v6  }
0x76: {  	v6 =	vperm.xlane v5, v2;
	_ =	sdelay $0x1  }
0x77: {  	v6 =	vadd.s32 v3, v6;
	_ =	sdelay $0x2  }
0x78: {  	s30 =	rddreg [dreg:$0x7]  }
0x79: {  	s31 =	sld [smem:$0x7FD];
	s23 =	simm.s32 $0x800  }
0x7a: {  	[tilespmem:s23], [sflag:$0x1] =	stream.indirect_vreg.gather [hbm4b:s28+s2], $0x80, v6, vm9, $0xb8;
	[tilespmem:$0x10800] =	vst v63  }
0x7b: {  	s22 =	rddreg [dreg:$0x4];
	v5 =	vperm.xlane v5, v4  }
0x7c: {  	[tilespmem:s22], [sflag:$0x1] =	stream.indirect_vreg.gather [hbm4b:s25+s2], $0x80, v6, vm9, $0xb8;
	[tilespmem:$0x10800] =	vst v63  }
0x7d: {  	s24 =	rddreg [dreg:$0x5];
	v5 =	vadd.s32 v3, v5  }
0x7e: {  	[tilespmem:s24], [sflag:$0x1] =	stream.indirect_vreg.gather [hbm4b:s26+s2], $0x80, v6, vm9, $0xb8;
	[tilespmem:$0x10800] =	vst v63  }
0x7f: {  	s29 =	rddreg [dreg:$0x6]  }
0x80: {  	[tilespmem:s29], [sflag:$0x1] =	stream.indirect_vreg.gather [hbm4b:s31+s2], $0x80, v6, vm9, $0xb8;
	[tilespmem:$0x10800] =	vst v63  }
0x81: {  	s3 =	rddreg [dreg:$0x8]  }
0x82: {  	[tilespmem:s30], [sflag:$0x1] =	stream.indirect_vreg.gather [hbm4b:s28+s2], $0x80, v5, vm9, $0xb8;
	[tilespmem:$0x10800] =	vst v63  }
0x83: {  	s6 =	sld [smem:$0x7FD]  }
0x84: {  	[tilespmem:s3], [sflag:$0x1] =	stream.indirect_vreg.gather [hbm4b:s25+s2], $0x80, v5, vm9, $0xb8;
	[tilespmem:$0x10800] =	vst v63  }
0x85: {  	s4 =	rddreg [dreg:$0x9]  }
0x86: {  	[tilespmem:s4], [sflag:$0x1] =	stream.indirect_vreg.gather [hbm4b:s26+s2], $0x80, v5, vm9, $0xb8;
	[tilespmem:$0x10800] =	vst v63  }
0x87: {  	s0 =	simm.s32 @!p0 $0x6;
	s5 =	rddreg [dreg:$0xa]  }
0x88: {  	[tilespmem:s5], [sflag:$0x1] =	stream.indirect_vreg.gather [hbm4b:s6+s2], $0x80, v5, vm9, $0xb8;
	[tilespmem:$0x10800] =	vst v63  }
0x89: {  	_ =	swait.ge @!p0 [sflag:s0], $0x4000  }
0x8a: {  	s7 =	sld [smem:$0x7F6]  }
0x8b: {  	[sflag:s0] =	ssyncset.done @!p0 $0x0;
	s8 =	sld [smem:$0x7F7]  }
0x8c: {  	[sflag:s0] =	ssyncadd.s32 @!p0 $0xFFFFC000  }
0x8d: {  	v5 =	vld [tilespmem:s7+$0xFFFFFFF0]  }
0x8e: {  	v6 =	vld [tilespmem:s8+$0xFFFFFFF0];
	_ =	sdelay $0x4  }
0x8f: {  	v5 =	vmul.u32 $0x269, v5;
	v6 =	vmul.u32 $0x643, v6;
	_ =	sdelay $0x1  }
0x90: {  	v5 =	vadd.s32 v5, v6  }
0x91: {  	(v2sf) =	vpush v5, $0xD;
	_ =	sdelay $0x1  }
0x92: {  	(v2sf) =	vpush v5, $0xC;
	_ =	sdelay $0x1  }
0x93: {  	(v2sf) =	vpush v5, $0xE;
	_ =	sdelay $0x1  }
0x94: {  	(v2sf) =	vpush v5, $0xF  }
0x95: {  	(v2sf) =	vpush v5, $0x9;
	_ =	sdelay $0x1  }
0x96: {  	(v2sf) =	vpush v5, $0x8;
	_ =	sdelay $0x2  }
0x97: {  	(v2sf) =	vpush v5, $0xA;
	_ =	sdelay $0x1  }
0x98: {  	(v2sf) =	vpush v5, $0xB  }
0x99: {  	s9 =	spop (v2sf)  }
0x9a: {  	(v2sf) =	vpush v5, $0x0;
	s10 =	smulhi.u32 $0x2AAAAAAB, s9;
	s0 =	sshra.s32 s9, $0x1F  }
0x9b: {  	s11 =	spop (v2sf);
	s0 =	smul.u32 $0x2AAAAAAB, s0  }
0x9c: {  	(v2sf) =	vpush v5, $0x1;
	s12 =	smulhi.u32 $0x2AAAAAAB, s11;
	s3 =	sshra.s32 s11, $0x1F  }
0x9d: {  	s13 =	spop (v2sf);
	s3 =	smul.u32 $0x2AAAAAAB, s3  }
0x9e: {  	s14 =	smulhi.u32 $0x2AAAAAAB, s13;
	s5 =	sshra.s32 s13, $0x1F  }
0x9f: {  	s15 =	spop (v2sf);
	s5 =	smul.u32 $0x2AAAAAAB, s5;
	s29 =	sadd.s32 s0, s10  }
0xa0: {  	(v2sf) =	vpush v5, $0x2;
	s16 =	smulhi.u32 $0x2AAAAAAB, s15;
	s17 =	sshra.s32 s15, $0x1F;
	s18 =	spop (v2sf)  }
0xa1: {  	s9 =	sshrl.u32 s29, $0x1F;
	s7 =	smul.u32 $0x2AAAAAAB, s17;
	s0 =	sadd.s32 s3, s12  }
0xa2: {  	(v2sf) =	vpush v5, $0x3;
	s19 =	smulhi.u32 $0x2AAAAAAB, s18;
	s20 =	sshra.s32 s18, $0x1F;
	s21 =	spop (v2sf)  }
0xa3: {  	s29 =	sshrl.u32 s29, $0x9;
	s8 =	sshrl.u32 s0, $0x1F;
	s4 =	smul.u32 $0x2AAAAAAB, s20  }
0xa4: {  	(v2sf) =	vpush v5, $0x4;
	s30 =	sadd.s32 s5, s14;
	s22 =	smulhi.u32 $0x2AAAAAAB, s21;
	s10 =	sshra.s32 s21, $0x1F  }
0xa5: {  	s11 =	spop (v2sf);
	s0 =	sshrl.u32 s0, $0x9;
	s6 =	smul.u32 $0x2AAAAAAB, s10  }
0xa6: {  	(v2sf) =	vpush v5, $0x5;
	s20 =	sshrl.u32 s30, $0x1F;
	s12 =	smulhi.u32 $0x2AAAAAAB, s11;
	s15 =	sshra.s32 s11, $0x1F  }
0xa7: {  	s31 =	sadd.s32 s7, s16;
	s16 =	spop (v2sf);
	s10 =	smul.u32 $0x2AAAAAAB, s15  }
0xa8: {  	(v2sf) =	vpush v5, $0x6;
	s21 =	sshrl.u32 s31, $0x1F;
	s17 =	smulhi.u32 $0x2AAAAAAB, s16;
	s23 =	sshra.s32 s16, $0x1F  }
0xa9: {  	s1 =	sadd.s32 s4, s19;
	s13 =	spop (v2sf);
	s24 =	smul.u32 $0x2AAAAAAB, s23  }
0xaa: {  	s11 =	sshrl.u32 s1, $0x1F;
	s5 =	sadd.s32 s6, s22;
	s14 =	smulhi.u32 $0x2AAAAAAB, s13  }
0xab: {  	(v2sf) =	vpush v5, $0x7;
	s4 =	sshra.s32 s13, $0x1F;
	s19 =	spop (v2sf);
	s1 =	sshrl.u32 s1, $0x9  }
0xac: {  	s13 =	sshrl.u32 s5, $0x1F;
	s18 =	smul.u32 $0x2AAAAAAB, s4;
	s4 =	sadd.s32 s10, s12  }
0xad: {  	v7 =	vmov s8;
	s7 =	smulhi.u32 $0x2AAAAAAB, s19;
	s22 =	sshra.s32 s19, $0x1F;
	s5 =	sshrl.u32 s5, $0x9  }
0xae: {  	v7 =	vsel vm0, s9, v7;
	s15 =	sshrl.u32 s4, $0x1F;
	s16 =	smul.u32 $0x2AAAAAAB, s22;
	s10 =	sadd.s32 s24, s17  }
0xaf: {  	v7 =	vsel vm1, s20, v7;
	v49 =	vmov s13;
	s13 =	sshrl.u32 s30, $0x9;
	s6 =	sadd.s32 s18, s14;
	s23 =	spop (v2sf)  }
0xb0: {  	v7 =	vsel vm2, s21, v7;
	s21 =	sshrl.u32 s10, $0x1F;
	s24 =	smulhi.u32 $0x2AAAAAAB, s23;
	s19 =	sshra.s32 s23, $0x1F  }
0xb1: {  	s17 =	sshrl.u32 s6, $0x1F;
	s22 =	spop (v2sf);
	s12 =	smul.u32 $0x2AAAAAAB, s19  }
0xb2: {  	s7 =	sadd.s32 s16, s7;
	s18 =	smulhi.u32 $0x2AAAAAAB, s22;
	s14 =	sshra.s32 s22, $0x1F  }
0xb3: {  	s6 =	sshrl.u32 s6, $0x9;
	s23 =	spop (v2sf);
	s14 =	smul.u32 $0x2AAAAAAB, s14  }
0xb4: {  	s19 =	sshrl.u32 s7, $0x1F;
	s22 =	smulhi.u32 $0x2AAAAAAB, s23;
	s16 =	sshra.s32 s23, $0x1F  }
0xb5: {  	s3 =	sadd.s32 s12, s24;
	s12 =	smul.u32 $0x2AAAAAAB, s16;
	s24 =	spop (v2sf)  }
0xb6: {  	s7 =	sshrl.u32 s7, $0x9;
	s23 =	smulhi.u32 $0x2AAAAAAB, s24;
	s16 =	sshra.s32 s24, $0x1F  }
0xb7: {  	v52 =	vmov s0;
	v53 =	vmov s5;
	v8 =	vsel vm0, s11, v49;
	s14 =	sadd.s32 s14, s18;
	s18 =	spop (v2sf);
	s16 =	smul.u32 $0x2AAAAAAB, s16  }
0xb8: {  	v10 =	vsel vm0, s1, v53;
	v6 =	vmov s17;
	v50 =	vmov s6;
	s24 =	sshrl.u32 s3, $0x1F;
	s3 =	sshrl.u32 s3, $0x9;
	s8 =	smulhi.u32 $0x2AAAAAAB, s18  }
0xb9: {  	v8 =	vsel vm1, s15, v8;
	v6 =	vnsel vm3, $0x0, v6;
	v9 =	vnsel vm3, $0x0, v50;
	s17 =	sshra.s32 s18, $0x1F;
	s18 =	sshrl.u32 s14, $0x1F;
	s9 =	sadd.s32 s12, s22  }
0xba: {  	v8 =	vsel vm2, s21, v8;
	v6 =	vsel vm0, s19, v6;
	v51 =	vsel vm0, s7, v9;
	s19 =	spop (v2sf);
	s7 =	sshrl.u32 s14, $0x9;
	s12 =	smul.u32 $0x2AAAAAAB, s17  }
0xbb: {  	v7 =	vcombine.low v8, v7;
	v9 =	vsel vm0, s29, v52;
	v6 =	vsel vm1, s24, v6;
	s14 =	sshrl.u32 s4, $0x9;
	s22 =	sshrl.u32 s9, $0x1F;
	s24 =	smulhi.u32 $0x2AAAAAAB, s19  }
0xbc: {  	v9 =	vsel vm1, s13, v9;
	v8 =	vsel vm1, s3, v51;
	s17 =	sshra.s32 s19, $0x1F;
	v6 =	vsel vm2, s18, v6;
	s15 =	sshrl.u32 s9, $0x9;
	s18 =	sadd.s32 s16, s23  }
0xbd: {  	v8 =	vsel vm2, s7, v8;
	v10 =	vsel vm1, s14, v10;
	s20 =	smul.u32 $0x2AAAAAAB, s17;
	v6 =	vsel vm4, s22, v6;
	s16 =	sshrl.u32 s31, $0x9;
	s17 =	sshrl.u32 s10, $0x9  }
0xbe: {  	v8 =	vsel vm4, s15, v8;
	s22 =	sshrl.u32 s18, $0x1F;
	s8 =	sadd.s32 s12, s8;
	s18 =	sshrl.u32 s18, $0x9;
	v9 =	vsel vm2, s16, v9;
	v10 =	vsel vm2, s17, v10  }
0xbf: {  	v6 =	vsel vm5, s22, v6;
	s23 =	sshrl.u32 s8, $0x1F;
	s24 =	sadd.s32 s20, s24;
	v8 =	vsel vm5, s18, v8;
	s20 =	sshrl.u32 s8, $0x9;
	v9 =	vcombine.low v10, v9  }
0xc0: {  	v7 =	vperm.xlane v7, v0;
	v6 =	vsel vm6, s23, v6;
	s19 =	sshrl.u32 s24, $0x1F;
	v8 =	vsel vm6, s20, v8;
	s21 =	sshrl.u32 s24, $0x9  }
0xc1: {  	v6 =	vsel vm7, s19, v6;
	v8 =	vsel vm7, s21, v8;
	v9 =	vperm.xlane v9, v0  }
0xc2: {  	v6 =	vperm.xlane v6, v1;
	v8 =	vperm.xlane v8, v1;
	_ =	sdelay $0x1  }
0xc3: {  	v6 =	vsel vm8, v6, v7;
	v7 =	vsel vm8, v8, v9  }
0xc4: {  	v6 =	vadd.s32 v6, v7  }
0xc5: {  	v6 =	vmul.u32 $0xC00, v6;
	_ =	sdelay $0x1  }
0xc6: {  	v5 =	vsub.s32 v5, v6  }
0xc7: {  	vm10 =	vlt.s32 v5, $0x0;
	v6 =	vadd.s32 $0xC00, v5  }
0xc8: {  	v5 =	vsel vm10, v6, v5  }
0xc9: {  	v6 =	vshll.u32 v5, $0x3  }
0xca: {  	v5 =	vand.u32 $0x7, v5;
	v6 =	vand.u32 $0xFFFFFFC0, v6  }
0xcb: {  	v5 =	vor.u32 v5, v6  }
0xcc: {  	v6 =	vperm.xlane v5, v2;
	_ =	sdelay $0x1  }
0xcd: {  	v6 =	vadd.s32 v3, v6;
	_ =	sdelay $0x2  }
0xce: {  	s30 =	rddreg [dreg:$0xe]  }
0xcf: {  	s31 =	sld [smem:$0x7FD];
	s23 =	simm.s32 $0x4800  }
0xd0: {  	[tilespmem:s23], [sflag:$0x2] =	stream.indirect_vreg.gather [hbm4b:s28+s2], $0x80, v6, vm9, $0xb8;
	[tilespmem:$0x10800] =	vst v63  }
0xd1: {  	s22 =	rddreg [dreg:$0xb];
	v5 =	vperm.xlane v5, v4  }
0xd2: {  	[tilespmem:s22], [sflag:$0x2] =	stream.indirect_vreg.gather [hbm4b:s25+s2], $0x80, v6, vm9, $0xb8;
	[tilespmem:$0x10800] =	vst v63  }
0xd3: {  	s24 =	rddreg [dreg:$0xc];
	v5 =	vadd.s32 v3, v5  }
0xd4: {  	[tilespmem:s24], [sflag:$0x2] =	stream.indirect_vreg.gather [hbm4b:s26+s2], $0x80, v6, vm9, $0xb8;
	[tilespmem:$0x10800] =	vst v63  }
0xd5: {  	s29 =	rddreg [dreg:$0xd]  }
0xd6: {  	[tilespmem:s29], [sflag:$0x2] =	stream.indirect_vreg.gather [hbm4b:s31+s2], $0x80, v6, vm9, $0xb8;
	[tilespmem:$0x10800] =	vst v63  }
0xd7: {  	s6 =	sld [smem:$0x7FD]  }
0xd8: {  	[tilespmem:s30], [sflag:$0x2] =	stream.indirect_vreg.gather [hbm4b:s28+s2], $0x80, v5, vm9, $0xb8;
	[tilespmem:$0x10800] =	vst v63  }
0xd9: {  	s3 =	rddreg [dreg:$0xf]  }
0xda: {  	[tilespmem:s3], [sflag:$0x2] =	stream.indirect_vreg.gather [hbm4b:s25+s2], $0x80, v5, vm9, $0xb8;
	[tilespmem:$0x10800] =	vst v63  }
0xdb: {  	s4 =	rddreg [dreg:$0x10]  }
0xdc: {  	[tilespmem:s4], [sflag:$0x2] =	stream.indirect_vreg.gather [hbm4b:s26+s2], $0x80, v5, vm9, $0xb8;
	[tilespmem:$0x10800] =	vst v63  }
0xdd: {  	s0 =	simm.s32 @!p0 $0x7;
	s5 =	rddreg [dreg:$0x11]  }
0xde: {  	[tilespmem:s5], [sflag:$0x2] =	stream.indirect_vreg.gather [hbm4b:s6+s2], $0x80, v5, vm9, $0xb8;
	[tilespmem:$0x10800] =	vst v63  }
0xdf: {  	_ =	swait.ge @!p0 [sflag:s0], $0x4000  }
0xe0: {  	s7 =	sld [smem:$0x7F6]  }
0xe1: {  	[sflag:s0] =	ssyncset.done @!p0 $0x0;
	s8 =	sld [smem:$0x7F7]  }
0xe2: {  	[sflag:s0] =	ssyncadd.s32 @!p0 $0xFFFFC000  }
0xe3: {  	v5 =	vld [tilespmem:s7+$0x0]  }
0xe4: {  	v6 =	vld [tilespmem:s8+$0x0];
	_ =	sdelay $0x4  }
0xe5: {  	v5 =	vmul.u32 $0x269, v5;
	v6 =	vmul.u32 $0x643, v6;
	_ =	sdelay $0x1  }
0xe6: {  	v5 =	vadd.s32 v5, v6  }
0xe7: {  	(v2sf) =	vpush v5, $0xD;
	_ =	sdelay $0x1  }
0xe8: {  	(v2sf) =	vpush v5, $0xC;
	_ =	sdelay $0x1  }
0xe9: {  	(v2sf) =	vpush v5, $0xE;
	_ =	sdelay $0x1  }
0xea: {  	(v2sf) =	vpush v5, $0xF  }
0xeb: {  	(v2sf) =	vpush v5, $0x9;
	_ =	sdelay $0x1  }
0xec: {  	(v2sf) =	vpush v5, $0x8;
	_ =	sdelay $0x2  }
0xed: {  	(v2sf) =	vpush v5, $0xA;
	_ =	sdelay $0x1  }
0xee: {  	(v2sf) =	vpush v5, $0xB  }
0xef: {  	s9 =	spop (v2sf)  }
0xf0: {  	(v2sf) =	vpush v5, $0x0;
	s10 =	smulhi.u32 $0x2AAAAAAB, s9;
	s0 =	sshra.s32 s9, $0x1F  }
0xf1: {  	s11 =	spop (v2sf);
	s0 =	smul.u32 $0x2AAAAAAB, s0  }
0xf2: {  	(v2sf) =	vpush v5, $0x1;
	s12 =	smulhi.u32 $0x2AAAAAAB, s11;
	s3 =	sshra.s32 s11, $0x1F  }
0xf3: {  	s13 =	spop (v2sf);
	s3 =	smul.u32 $0x2AAAAAAB, s3  }
0xf4: {  	s14 =	smulhi.u32 $0x2AAAAAAB, s13;
	s5 =	sshra.s32 s13, $0x1F  }
0xf5: {  	s15 =	spop (v2sf);
	s5 =	smul.u32 $0x2AAAAAAB, s5;
	s29 =	sadd.s32 s0, s10  }
0xf6: {  	s16 =	smulhi.u32 $0x2AAAAAAB, s15;
	s17 =	sshra.s32 s15, $0x1F;
	s18 =	spop (v2sf)  }
0xf7: {  	(v2sf) =	vpush v5, $0x2;
	s9 =	sshrl.u32 s29, $0x1F;
	s7 =	smul.u32 $0x2AAAAAAB, s17;
	s0 =	sadd.s32 s3, s12  }
0xf8: {  	s19 =	smulhi.u32 $0x2AAAAAAB, s18;
	s20 =	sshra.s32 s18, $0x1F;
	s21 =	spop (v2sf)  }
0xf9: {  	(v2sf) =	vpush v5, $0x3;
	s29 =	sshrl.u32 s29, $0x9;
	s8 =	sshrl.u32 s0, $0x1F;
	s4 =	smul.u32 $0x2AAAAAAB, s20  }
0xfa: {  	s30 =	sadd.s32 s5, s14;
	s22 =	smulhi.u32 $0x2AAAAAAB, s21;
	s10 =	sshra.s32 s21, $0x1F  }
0xfb: {  	(v2sf) =	vpush v5, $0x4;
	s11 =	spop (v2sf);
	s0 =	sshrl.u32 s0, $0x9;
	s6 =	smul.u32 $0x2AAAAAAB, s10  }
0xfc: {  	s20 =	sshrl.u32 s30, $0x1F;
	s12 =	smulhi.u32 $0x2AAAAAAB, s11;
	s15 =	sshra.s32 s11, $0x1F  }
0xfd: {  	(v2sf) =	vpush v5, $0x5;
	s31 =	sadd.s32 s7, s16;
	s16 =	spop (v2sf);
	s10 =	smul.u32 $0x2AAAAAAB, s15  }
0xfe: {  	s21 =	sshrl.u32 s31, $0x1F;
	s17 =	smulhi.u32 $0x2AAAAAAB, s16;
	s23 =	sshra.s32 s16, $0x1F  }
0xff: {  	(v2sf) =	vpush v5, $0x6;
	s1 =	sadd.s32 s4, s19;
	s13 =	spop (v2sf);
	s24 =	smul.u32 $0x2AAAAAAB, s23  }
0x100: {  	s11 =	sshrl.u32 s1, $0x1F;
	s5 =	sadd.s32 s6, s22;
	s14 =	smulhi.u32 $0x2AAAAAAB, s13  }
0x101: {  	(v2sf) =	vpush v5, $0x7;
	s4 =	sshra.s32 s13, $0x1F;
	s19 =	spop (v2sf);
	s1 =	sshrl.u32 s1, $0x9  }
0x102: {  	v7 =	vmov s8;
	s13 =	sshrl.u32 s5, $0x1F;
	s18 =	smul.u32 $0x2AAAAAAB, s4;
	s4 =	sadd.s32 s10, s12  }
0x103: {  	v7 =	vsel vm0, s9, v7;
	s7 =	smulhi.u32 $0x2AAAAAAB, s19;
	s22 =	sshra.s32 s19, $0x1F;
	s5 =	sshrl.u32 s5, $0x9  }
0x104: {  	v7 =	vsel vm1, s20, v7;
	s15 =	sshrl.u32 s4, $0x1F;
	s16 =	smul.u32 $0x2AAAAAAB, s22;
	s10 =	sadd.s32 s24, s17  }
0x105: {  	v7 =	vsel vm2, s21, v7;
	v58 =	vmov s5;
	s5 =	sshrl.u32 s30, $0x9;
	s6 =	sadd.s32 s18, s14;
	s21 =	sshrl.u32 s10, $0x1F  }
0x106: {  	v54 =	vmov s13;
	s13 =	sshrl.u32 s10, $0x9;
	s17 =	sshrl.u32 s6, $0x1F;
	s23 =	spop (v2sf)  }
0x107: {  	s7 =	sadd.s32 s16, s7;
	s24 =	smulhi.u32 $0x2AAAAAAB, s23;
	s19 =	sshra.s32 s23, $0x1F  }
0x108: {  	s6 =	sshrl.u32 s6, $0x9;
	s22 =	spop (v2sf);
	s12 =	smul.u32 $0x2AAAAAAB, s19  }
0x109: {  	v55 =	vmov s6;
	s6 =	sshrl.u32 s4, $0x9;
	s18 =	smulhi.u32 $0x2AAAAAAB, s22;
	s14 =	sshra.s32 s22, $0x1F  }
0x10a: {  	s23 =	spop (v2sf);
	s19 =	sshrl.u32 s7, $0x1F;
	s14 =	smul.u32 $0x2AAAAAAB, s14  }
0x10b: {  	s7 =	sshrl.u32 s7, $0x9;
	s22 =	smulhi.u32 $0x2AAAAAAB, s23;
	s16 =	sshra.s32 s23, $0x1F  }
0x10c: {  	s3 =	sadd.s32 s12, s24;
	s12 =	smul.u32 $0x2AAAAAAB, s16;
	s24 =	spop (v2sf)  }
0x10d: {  	v57 =	vmov s0;
	s23 =	smulhi.u32 $0x2AAAAAAB, s24;
	s16 =	sshra.s32 s24, $0x1F;
	s24 =	sshrl.u32 s3, $0x1F  }
0x10e: {  	v8 =	vsel vm0, s11, v54;
	v10 =	vsel vm0, s1, v58;
	v6 =	vmov s17;
	s14 =	sadd.s32 s14, s18;
	s18 =	spop (v2sf);
	s16 =	smul.u32 $0x2AAAAAAB, s16  }
0x10f: {  	v8 =	vsel vm1, s15, v8;
	v6 =	vnsel vm3, $0x0, v6;
	v9 =	vnsel vm3, $0x0, v55;
	s3 =	sshrl.u32 s3, $0x9;
	s8 =	smulhi.u32 $0x2AAAAAAB, s18;
	s17 =	sshra.s32 s18, $0x1F  }
0x110: {  	v8 =	vsel vm2, s21, v8;
	v6 =	vsel vm0, s19, v6;
	v56 =	vsel vm0, s7, v9;
	s18 =	sshrl.u32 s14, $0x1F;
	s9 =	sadd.s32 s12, s22;
	s19 =	spop (v2sf)  }
0x111: {  	v7 =	vcombine.low v8, v7;
	v10 =	vsel vm1, s6, v10;
	v8 =	vsel vm1, s3, v56;
	s3 =	sshrl.u32 s14, $0x9;
	s12 =	smul.u32 $0x2AAAAAAB, s17;
	s22 =	sshrl.u32 s9, $0x1F  }
0x112: {  	v10 =	vsel vm2, s13, v10;
	v9 =	vsel vm0, s29, v57;
	v6 =	vsel vm1, s24, v6;
	s24 =	smulhi.u32 $0x2AAAAAAB, s19;
	s17 =	sshra.s32 s19, $0x1F;
	s7 =	sshrl.u32 s9, $0x9  }
0x113: {  	v9 =	vsel vm1, s5, v9;
	v6 =	vsel vm2, s18, v6;
	v8 =	vsel vm2, s3, v8;
	s9 =	sshrl.u32 s31, $0x9;
	s18 =	sadd.s32 s16, s23;
	s20 =	smul.u32 $0x2AAAAAAB, s17  }
0x114: {  	v6 =	vsel vm4, s22, v6;
	v8 =	vsel vm4, s7, v8;
	v9 =	vsel vm2, s9, v9;
	s22 =	sshrl.u32 s18, $0x1F;
	s8 =	sadd.s32 s12, s8;
	s14 =	sshrl.u32 s18, $0x9  }
0x115: {  	v9 =	vcombine.low v10, v9;
	v6 =	vsel vm5, s22, v6;
	s23 =	sshrl.u32 s8, $0x1F;
	s24 =	sadd.s32 s20, s24;
	v8 =	vsel vm5, s14, v8;
	s16 =	sshrl.u32 s8, $0x9  }
0x116: {  	v7 =	vperm.xlane v7, v0;
	v6 =	vsel vm6, s23, v6;
	s15 =	sshrl.u32 s24, $0x1F;
	v8 =	vsel vm6, s16, v8;
	s17 =	sshrl.u32 s24, $0x9  }
0x117: {  	v9 =	vperm.xlane v9, v0;
	v6 =	vsel vm7, s15, v6;
	v8 =	vsel vm7, s17, v8  }
0x118: {  	v6 =	vperm.xlane v6, v1;
	v8 =	vperm.xlane v8, v1;
	_ =	sdelay $0x1  }
0x119: {  	v6 =	vsel vm8, v6, v7;
	v7 =	vsel vm8, v8, v9  }
0x11a: {  	v6 =	vadd.s32 v6, v7  }
0x11b: {  	v6 =	vmul.u32 $0xC00, v6;
	_ =	sdelay $0x1  }
0x11c: {  	v5 =	vsub.s32 v5, v6  }
0x11d: {  	vm10 =	vlt.s32 v5, $0x0;
	v6 =	vadd.s32 $0xC00, v5  }
0x11e: {  	v5 =	vsel vm10, v6, v5  }
0x11f: {  	v6 =	vshll.u32 v5, $0x3  }
0x120: {  	v5 =	vand.u32 $0x7, v5;
	v6 =	vand.u32 $0xFFFFFFC0, v6  }
0x121: {  	v5 =	vor.u32 v5, v6  }
0x122: {  	v6 =	vperm.xlane v5, v2;
	_ =	sdelay $0x1  }
0x123: {  	v6 =	vadd.s32 v3, v6;
	_ =	sdelay $0x2  }
0x124: {  	s21 =	rddreg [dreg:$0x14]  }
0x125: {  	s19 =	simm.s32 $0x8800;
	s18 =	rddreg [dreg:$0x12]  }
0x126: {  	[tilespmem:s19], [sflag:$0x3] =	stream.indirect_vreg.gather [hbm4b:s28+s2], $0x80, v6, vm9, $0xb8;
	[tilespmem:$0x10800] =	vst v63  }
0x127: {  	s20 =	rddreg [dreg:$0x13];
	v5 =	vperm.xlane v5, v4  }
0x128: {  	[tilespmem:s18], [sflag:$0x3] =	stream.indirect_vreg.gather [hbm4b:s25+s2], $0x80, v6, vm9, $0xb8;
	[tilespmem:$0x10800] =	vst v63  }
0x129: {  	s23 =	sld [smem:$0x7FD];
	v5 =	vadd.s32 v3, v5  }
0x12a: {  	[tilespmem:s20], [sflag:$0x3] =	stream.indirect_vreg.gather [hbm4b:s26+s2], $0x80, v6, vm9, $0xb8;
	[tilespmem:$0x10800] =	vst v63  }
0x12b: {  	s29 =	rddreg [dreg:$0x17]  }
0x12c: {  	[tilespmem:s21], [sflag:$0x3] =	stream.indirect_vreg.gather [hbm4b:s23+s2], $0x80, v6, vm9, $0xb8;
	[tilespmem:$0x10800] =	vst v63  }
0x12d: {  	s22 =	rddreg [dreg:$0x15]  }
0x12e: {  	[tilespmem:s22], [sflag:$0x3] =	stream.indirect_vreg.gather [hbm4b:s28+s2], $0x80, v5, vm9, $0xb8;
	[tilespmem:$0x10800] =	vst v63  }
0x12f: {  	s24 =	rddreg [dreg:$0x16]  }
0x130: {  	[tilespmem:s24], [sflag:$0x3] =	stream.indirect_vreg.gather [hbm4b:s25+s2], $0x80, v5, vm9, $0xb8;
	[tilespmem:$0x10800] =	vst v63  }
0x131: {  	s31 =	sld [smem:$0x7FD]  }
0x132: {  	[tilespmem:s29], [sflag:$0x3] =	stream.indirect_vreg.gather [hbm4b:s26+s2], $0x80, v5, vm9, $0xb8;
	[tilespmem:$0x10800] =	vst v63  }
0x133: {  	s0 =	simm.s32 @!p0 $0x8;
	s30 =	rddreg [dreg:$0x18]  }
0x134: {  	[tilespmem:s30], [sflag:$0x3] =	stream.indirect_vreg.gather [hbm4b:s31+s2], $0x80, v5, vm9, $0xb8;
	[tilespmem:$0x10800] =	vst v63  }
0x135: {  	_ =	swait.ge @!p0 [sflag:s0], $0x4000  }
0x136: {  	s2 =	sld [smem:$0x7F6]  }
0x137: {  	[sflag:s0] =	ssyncset.done @!p0 $0x0;
	s3 =	sld [smem:$0x7F7]  }
0x138: {  	[sflag:s0] =	ssyncadd.s32 @!p0 $0xFFFFC000  }
0x139: {  	v5 =	vld [tilespmem:s2+$0x10]  }
0x13a: {  	v6 =	vld [tilespmem:s3+$0x10];
	_ =	sdelay $0x4  }
0x13b: {  	v5 =	vmul.u32 $0x269, v5;
	v6 =	vmul.u32 $0x643, v6;
	_ =	sdelay $0x1  }
0x13c: {  	v5 =	vadd.s32 v5, v6  }
0x13d: {  	(v2sf) =	vpush v5, $0xD;
	_ =	sdelay $0x1  }
0x13e: {  	(v2sf) =	vpush v5, $0xC;
	_ =	sdelay $0x1  }
0x13f: {  	(v2sf) =	vpush v5, $0xE;
	_ =	sdelay $0x1  }
0x140: {  	(v2sf) =	vpush v5, $0xF;
	_ =	sdelay $0x1  }
0x141: {  	(v2sf) =	vpush v5, $0x9;
	_ =	sdelay $0x1  }
0x142: {  	(v2sf) =	vpush v5, $0x8  }
0x143: {  	(v2sf) =	vpush v5, $0xA;
	_ =	sdelay $0x2  }
0x144: {  	(v2sf) =	vpush v5, $0xB  }
0x145: {  	s4 =	spop (v2sf)  }
0x146: {  	(v2sf) =	vpush v5, $0x0;
	s6 =	smulhi.u32 $0x2AAAAAAB, s4;
	s0 =	sshra.s32 s4, $0x1F  }
0x147: {  	(v2sf) =	vpush v5, $0x1;
	s5 =	spop (v2sf);
	s0 =	smul.u32 $0x2AAAAAAB, s0  }
0x148: {  	(v2sf) =	vpush v5, $0x2;
	s12 =	smulhi.u32 $0x2AAAAAAB, s5;
	s1 =	sshra.s32 s5, $0x1F  }
0x149: {  	(v2sf) =	vpush v5, $0x3;
	s8 =	spop (v2sf);
	s1 =	smul.u32 $0x2AAAAAAB, s1  }
0x14a: {  	(v2sf) =	vpush v5, $0x4;
	s9 =	smulhi.u32 $0x2AAAAAAB, s8;
	s4 =	sshra.s32 s8, $0x1F  }
0x14b: {  	(v2sf) =	vpush v5, $0x5;
	s10 =	spop (v2sf);
	s11 =	smul.u32 $0x2AAAAAAB, s4  }
0x14c: {  	(v2sf) =	vpush v5, $0x6;
	s13 =	smulhi.u32 $0x2AAAAAAB, s10;
	s31 =	sshra.s32 s10, $0x1F  }
0x14d: {  	s23 =	spop (v2sf);
	s14 =	smul.u32 $0x2AAAAAAB, s31  }
0x14e: {  	s0 =	sadd.s32 s0, s6;
	s16 =	smulhi.u32 $0x2AAAAAAB, s23;
	s22 =	sshra.s32 s23, $0x1F  }
0x14f: {  	s24 =	spop (v2sf);
	s4 =	sadd.s32 s1, s12;
	s17 =	smul.u32 $0x2AAAAAAB, s22  }
0x150: {  	s29 =	spop (v2sf);
	s19 =	smulhi.u32 $0x2AAAAAAB, s24;
	s23 =	sshra.s32 s24, $0x1F  }
0x151: {  	s22 =	sshrl.u32 s0, $0x1F;
	s12 =	sshrl.u32 s4, $0x1F;
	s20 =	smul.u32 $0x2AAAAAAB, s23  }
0x152: {  	s1 =	sadd.s32 s11, s9;
	s3 =	smulhi.u32 $0x2AAAAAAB, s29;
	s24 =	sshra.s32 s29, $0x1F  }
0x153: {  	s4 =	sshrl.u32 s4, $0x9;
	s30 =	spop (v2sf);
	s23 =	smul.u32 $0x2AAAAAAB, s24  }
0x154: {  	s0 =	sshrl.u32 s0, $0x9;
	s6 =	smulhi.u32 $0x2AAAAAAB, s30;
	s29 =	sshra.s32 s30, $0x1F  }
0x155: {  	s2 =	spop (v2sf);
	s10 =	sadd.s32 s17, s16;
	s30 =	smul.u32 $0x2AAAAAAB, s29  }
0x156: {  	s15 =	spop (v2sf);
	s24 =	smulhi.u32 $0x2AAAAAAB, s2;
	s5 =	sshra.s32 s2, $0x1F  }
0x157: {  	s2 =	smov.u32 s26;
	s26 =	smov.u32 s25;
	s7 =	spop (v2sf)  }
0x158: {  	s25 =	smov.u32 s28;
	s28 =	sshrl.u32 s1, $0x1F;
	s18 =	spop (v2sf)  }
0x159: {  	s29 =	sadd.s32 s14, s13;
	s16 =	sshrl.u32 s10, $0x1F;
	s8 =	spop (v2sf)  }
0x15a: {  	s9 =	sadd.s32 s20, s19;
	s13 =	smul.u32 $0x2AAAAAAB, s5;
	s21 =	spop (v2sf)  }
0x15b: {  	s14 =	smulhi.u32 $0x2AAAAAAB, s15;
	s17 =	sshra.s32 s15, $0x1F;
	s31 =	spop (v2sf);
	(v2sf) =	vpush v5, $0x7  }
0x15c: {  	s15 =	sshrl.u32 s29, $0x1F;
	s20 =	sshrl.u32 s9, $0x1F;
	s17 =	smul.u32 $0x2AAAAAAB, s17  }
0x15d: {  	s5 =	sadd.s32 s23, s3;
	s19 =	smulhi.u32 $0x2AAAAAAB, s7;
	s7 =	sshra.s32 s7, $0x1F  }
0x15e: {  	s30 =	sadd.s32 s30, s6;
	s11 =	sshrl.u32 s5, $0x1F;
	s3 =	smul.u32 $0x2AAAAAAB, s7  }
0x15f: {  	v59 =	vmov s20;
	s6 =	smulhi.u32 $0x2AAAAAAB, s18;
	s23 =	sshra.s32 s18, $0x1F;
	s13 =	sadd.s32 s13, s24  }
0x160: {  	s18 =	sshrl.u32 s30, $0x1F;
	v8 =	vsel vm0, s16, v59;
	s16 =	sshrl.u32 s10, $0x9;
	s7 =	smul.u32 $0x2AAAAAAB, s23  }
0x161: {  	s14 =	sadd.s32 s17, s14;
	s17 =	smulhi.u32 $0x2AAAAAAB, s8;
	s8 =	sshra.s32 s8, $0x1F  }
0x162: {  	s24 =	sshrl.u32 s13, $0x1F;
	s13 =	sshrl.u32 s13, $0x9;
	s8 =	smul.u32 $0x2AAAAAAB, s8  }
0x163: {  	v8 =	vsel vm1, s11, v8;
	s11 =	sshrl.u32 s9, $0x9;
	s3 =	sadd.s32 s3, s19;
	s19 =	smulhi.u32 $0x2AAAAAAB, s21  }
0x164: {  	v7 =	vmov s12;
	s21 =	sshra.s32 s21, $0x1F;
	s6 =	sadd.s32 s7, s6;
	s7 =	sshrl.u32 s14, $0x1F  }
0x165: {  	v61 =	vmov s4;
	v6 =	vmov s24;
	v60 =	vmov s13;
	s21 =	smul.u32 $0x2AAAAAAB, s21;
	s14 =	sshrl.u32 s14, $0x9;
	s8 =	sadd.s32 s8, s17  }
0x166: {  	v7 =	vsel vm0, s22, v7;
	v6 =	vnsel vm3, $0x0, v6;
	v9 =	vnsel vm3, $0x0, v60;
	s23 =	smulhi.u32 $0x2AAAAAAB, s31;
	s24 =	sshra.s32 s31, $0x1F;
	s31 =	sshrl.u32 s3, $0x1F  }
0x167: {  	v7 =	vsel vm1, s28, v7;
	v6 =	vsel vm0, s7, v6;
	s20 =	sshrl.u32 s6, $0x1F;
	v9 =	vsel vm0, s14, v9;
	s3 =	sshrl.u32 s3, $0x9;
	s14 =	sshrl.u32 s1, $0x9  }
0x168: {  	v10 =	vsel vm0, s0, v61;
	v7 =	vsel vm2, s15, v7;
	s7 =	sadd.s32 s21, s19;
	s17 =	smul.u32 $0x2AAAAAAB, s24;
	v6 =	vsel vm1, s31, v6;
	s22 =	sshrl.u32 s8, $0x1F  }
0x169: {  	v8 =	vsel vm2, s18, v8;
	v11 =	vmov s11;
	s19 =	sshrl.u32 s29, $0x9;
	s21 =	sshrl.u32 s7, $0x1F;
	v6 =	vsel vm2, s20, v6;
	s20 =	sshrl.u32 s5, $0x9  }
0x16a: {  	v11 =	vsel vm0, s16, v11;
	v7 =	vcombine.low v8, v7;
	s12 =	sadd.s32 s17, s23;
	v6 =	vsel vm4, s22, v6;
	s17 =	sshrl.u32 s6, $0x9;
	s23 =	spop (v2sf)  }
0x16b: {  	v9 =	vsel vm1, s3, v9;
	v10 =	vsel vm1, s14, v10;
	s24 =	sshrl.u32 s12, $0x1F;
	v6 =	vsel vm5, s21, v6;
	s31 =	smulhi.u32 $0x2AAAAAAB, s23;
	s15 =	sshra.s32 s23, $0x1F  }
0x16c: {  	v11 =	vsel vm1, s20, v11;
	v9 =	vsel vm2, s17, v9;
	s21 =	sshrl.u32 s8, $0x9;
	v6 =	vsel vm6, s24, v6;
	s24 =	sshrl.u32 s30, $0x9;
	s15 =	smul.u32 $0x2AAAAAAB, s15  }
0x16d: {  	v10 =	vsel vm2, s19, v10;
	s29 =	sshrl.u32 s7, $0x9;
	v9 =	vsel vm4, s21, v9;
	v11 =	vsel vm2, s24, v11  }
0x16e: {  	v62 =	vsel vm5, s29, v9;
	v63 =	vcombine.low v11, v10;
	s22 =	sadd.s32 s15, s31;
	s31 =	sshrl.u32 s12, $0x9  }
0x16f: {  	v7 =	vperm.xlane v7, v0;
	s30 =	sshrl.u32 s22, $0x1F;
	v8 =	vsel vm6, s31, v62;
	s7 =	sshrl.u32 s22, $0x9  }
0x170: {  	v9 =	vperm.xlane v63, v0;
	v6 =	vsel vm7, s30, v6;
	v8 =	vsel vm7, s7, v8  }
0x171: {  	v6 =	vperm.xlane v6, v1;
	v8 =	vperm.xlane v8, v1;
	_ =	sdelay $0x1  }
0x172: {  	v6 =	vsel vm8, v6, v7;
	v7 =	vsel vm8, v8, v9  }
0x173: {  	v6 =	vadd.s32 v6, v7  }
0x174: {  	v6 =	vmul.u32 $0xC00, v6;
	_ =	sdelay $0x1  }
0x175: {  	v5 =	vsub.s32 v5, v6  }
0x176: {  	vm10 =	vlt.s32 v5, $0x0;
	v6 =	vadd.s32 $0xC00, v5  }
0x177: {  	v5 =	vsel vm10, v6, v5  }
0x178: {  	v6 =	vshll.u32 v5, $0x3  }
0x179: {  	v5 =	vand.u32 $0x7, v5;
	v6 =	vand.u32 $0xFFFFFFC0, v6  }
0x17a: {  	v5 =	vor.u32 v5, v6  }
0x17b: {  	v6 =	vperm.xlane v5, v2;
	_ =	sdelay $0x1  }
0x17c: {  	v6 =	vadd.s32 v3, v6;
	_ =	sdelay $0x2  }
0x17d: {  	s28 =	smov.u32 s25;
	s25 =	smov.u32 s26;
	s26 =	smov.u32 s2  }
0x17e: {  	s2 =	simm.s32 $0x0;
	s10 =	rddreg [dreg:$0x1a];
	s5 =	simm.s32 $0xC800  }
0x17f: {  	[tilespmem:s5], [sflag:$0x4] =	stream.indirect_vreg.gather [hbm4b:s28+s2], $0x80, v6, vm9, $0xb8;
	[tilespmem:$0x10800] =	vst v63  }
0x180: {  	s9 =	rddreg [dreg:$0x19];
	v5 =	vperm.xlane v5, v4  }
0x181: {  	[tilespmem:s9], [sflag:$0x4] =	stream.indirect_vreg.gather [hbm4b:s25+s2], $0x80, v6, vm9, $0xb8;
	[tilespmem:$0x10800] =	vst v63  }
0x182: {  	s23 =	sld [smem:$0x7FD];
	v5 =	vadd.s32 v3, v5  }
0x183: {  	[tilespmem:s10], [sflag:$0x4] =	stream.indirect_vreg.gather [hbm4b:s26+s2], $0x80, v6, vm9, $0xb8;
	[tilespmem:$0x10800] =	vst v63  }
0x184: {  	s11 =	rddreg [dreg:$0x1b]  }
0x185: {  	[tilespmem:s11], [sflag:$0x4] =	stream.indirect_vreg.gather [hbm4b:s23+s2], $0x80, v6, vm9, $0xb8;
	[tilespmem:$0x10800] =	vst v63  }
0x186: {  	s12 =	rddreg [dreg:$0x1c]  }
0x187: {  	[tilespmem:s12], [sflag:$0x4] =	stream.indirect_vreg.gather [hbm4b:s28+s2], $0x80, v5, vm9, $0xb8;
	[tilespmem:$0x10800] =	vst v63  }
0x188: {  	s13 =	rddreg [dreg:$0x1d]  }
0x189: {  	[tilespmem:s13], [sflag:$0x4] =	stream.indirect_vreg.gather [hbm4b:s25+s2], $0x80, v5, vm9, $0xb8;
	[tilespmem:$0x10800] =	vst v63  }
0x18a: {  	s14 =	rddreg [dreg:$0x1e]  }
0x18b: {  	[tilespmem:s14], [sflag:$0x4] =	stream.indirect_vreg.gather [hbm4b:s26+s2], $0x80, v5, vm9, $0xb8;
	[tilespmem:$0x10800] =	vst v63  }
0x18c: {  	s18 =	simm.s32 $0x1;
	s15 =	rddreg [dreg:$0x1f]  }
0x18d: {  	[tilespmem:s15], [sflag:$0x4] =	stream.indirect_vreg.gather [hbm4b:s23+s2], $0x80, v5, vm9, $0xb8;
	[tilespmem:$0x10800] =	vst v63  }
0x18e: {  	_ =	swait.ge [sflag:s18], $0x4000  }
0x18f: {  	s19 =	sld [smem:$0x7F8];
	_ =	sdelay $0x1  }
0x190: {  	s8 =	simm.s32 $0x800;
	s16 =	rddreg [dreg:$0x3];
	[sflag:s18] =	ssyncset.done $0x0  }
0x191: {  	[sflag:s18] =	ssyncadd.s32 $0xFFFFC000;
	s18 =	simm.s32 $0x2;
	s0 =	sadd.s32 s19, s16  }
0x192: {  	[hbm4b:s0+s2] =	stream.linear.scatter [tilespmem:s8], [sflag:$0x5], $0x4000, $0x38;
	[tilespmem:$0x10800] =	vst v63  }
0x193: {  	_ =	swait.ge [sflag:s18], $0x4000  }
0x194: {  	s20 =	simm.s32 $0x4800;
	[sflag:s18] =	ssyncset.done $0x0  }
0x195: {  	s17 =	simm.s32 $0x3;
	s21 =	sadd.s32 $0x800, s0;
	[sflag:s18] =	ssyncadd.s32 $0xFFFFC000  }
0x196: {  	[hbm4b:s21+s2] =	stream.linear.scatter [tilespmem:s20], [sflag:$0x6], $0x4000, $0x38;
	[tilespmem:$0x10800] =	vst v63  }
0x197: {  	_ =	swait.ge [sflag:s17], $0x4000  }
0x198: {  	s29 =	simm.s32 $0x4;
	[sflag:s17] =	ssyncset.done $0x0  }
0x199: {  	s22 =	simm.s32 $0x8800;
	s23 =	sadd.s32 $0x1000, s0;
	[sflag:s17] =	ssyncadd.s32 $0xFFFFC000  }
0x19a: {  	[hbm4b:s23+s2] =	stream.linear.scatter [tilespmem:s22], [sflag:$0x7], $0x4000, $0x38;
	[tilespmem:$0x10800] =	vst v63  }
0x19b: {  	s24 =	sld [smem:$0x7F6];
	_ =	swait.ge [sflag:s29], $0x4000  }
0x19c: {  	[sflag:s29] =	ssyncset.done $0x0;
	s31 =	sld [smem:$0x7F8]  }
0x19d: {  	s0 =	sadd.s32 $0x1800, s0;
	[sflag:s29] =	ssyncadd.s32 $0xFFFFC000  }
0x19e: {  	[hbm4b:s0+s2] =	stream.linear.scatter [tilespmem:s5], [sflag:$0x8], $0x4000, $0x38;
	[tilespmem:$0x10800] =	vst v63  }
0x19f: {  	s0 =	sadd.s32 $0x2000, s31  }
0x1a0: {  	p0 =	sne.s32 s0, $0x20000  }
.Ltmp0:
0x1a1: {  	_ = 	snop;
	(pc) =	sbr.rel @p0 .LBB2_2-.Ltmp0, $2  }
0x1a2: {  	s30 =	sld [smem:$0x7F7];
	_ =	sdelay $0x2  }
0x1a3: {  	s4 =	sadd.s32 $0x40, s24;
	s1 =	sadd.s32 $0x40, s30  }
0x1a4: {  	s0 =	simm.s32 $0x5  }
0x1a5: {  	_ =	swait.ge [sflag:s0], $0x4000  }
0x1a6: {  	[sflag:s0] =	ssyncset.done $0x0  }
0x1a7: {  	s29 =	simm.s32 $0x6;
	[sflag:s0] =	ssyncadd.s32 $0xFFFFC000  }
0x1a8: {  	_ =	swait.ge [sflag:s29], $0x4000  }
0x1a9: {  	[sflag:s29] =	ssyncset.done $0x0  }
0x1aa: {  	s30 =	simm.s32 $0x7;
	[sflag:s29] =	ssyncadd.s32 $0xFFFFC000  }
0x1ab: {  	_ =	swait.ge [sflag:s30], $0x4000  }
0x1ac: {  	[sflag:s30] =	ssyncset.done $0x0  }
0x1ad: {  	s1 =	simm.s32 $0x8;
	[sflag:s30] =	ssyncadd.s32 $0xFFFFC000  }
0x1ae: {  	_ =	swait.ge [sflag:s1], $0x4000  }
0x1af: {  	s4 =	sld [smem:$0x7F9]  }
0x1b0: {  	s31 =	sld [smem:$0x7FC];
	_ =	sdelay $0x1  }
0x1b1: {  	s4 =	sadd.s32 $0x1, s4  }
0x1b2: {  	p0 =	sne.s32 s4, s31  }
.Ltmp1:
0x1b3: {  	_ = 	snop;
	(pc) =	sbr.rel @p0 .LBB2_1-.Ltmp1, $3  }
0x1b4: {  	_ =	sdelay $0x1  }
0x1b5: {  	[sflag:s1] =	ssyncset.done $0x0  }
0x1b6: {  	[sflag:s1] =	ssyncadd.s32 $0xFFFFC000  }
0x1b7: {  	_ =	sfence.sel $0x180000  }
0x1b8: {  	[bflag:$0x0] =	sbarrier.arrive $0xFFFF  }
0x1b9: {  	_ =	strace $0x90000047  }
0x1ba: {  	s0 =	stileid.u32;
	[bflag:$0x2] =	sbarrier.arrive $0xFFFF  }
0x1bb: {  	p0 =	sne.s32 s0, $0x0;
	s0 =	rddreg [dreg:$0x2]  }
0x1bc: {  	s0 =	sadd.s32 @!p0 $0x100000, s0  }
0x1bd: {  	[sflag:s0] =	ssyncadd.tile.s32 @!p0 $0x1;
	_ =	shalt  }
.Lfunc_end2:
_tile_overlayer_lowered:
.L_overlay_start_2:
0x1be: {  	(tag) =	ssettag $0x2  }
0x1bf: {  	s0 =	rddreg [dreg:$0x0];
	s2 =	stileid.u32  }
0x1c0: {  	s1 =	rddreg [dreg:$0x1];
	p0 =	sne.s32 s2, $0x0  }
0x1c1: {  	s3 =	rddreg [dreg:$0x2];
	[bflag:$0x3] =	sbarrier.arrive $0xFFFF;
	s2 =	simm.s32 @!p0 $0x1C0A  }
0x1c2: {  	[timem:s3], [sflag:s2] =	dma.local @!p0 [hbm:s0], s1  }
0x1c3: {  	s0 =	simm.s32 @!p0 $0xA  }
0x1c4: {  	_ =	swait.ge @!p0 [sflag:s0], s1  }
0x1c5: {  	s1 =	ssub.s32 @!p0 $0x0, s1;
	[sflag:s0] =	ssyncset.done @!p0 $0x0  }
0x1c6: {  	[sflag:s0] =	ssyncadd.s32 @!p0 s1  }
0x1c7: {  	[bflag:$0x3] =	sbarrier.arrive $0xFFFF  }
0x1c8: {  	_ =	shalt  }

</sc_bundles>
